<compile_context>
chip_gen: v7x
topology: tpu7x:2x2x1
jax: 0.10.2.dev20260603
libtpu: 0.0.44.dev20260713+nightly
codegen_flags: <defaults>
</compile_context>

<pallas_src>
import functools

import jax
import jax.numpy as jnp
from jax import lax
from jax.experimental import pallas as pl
from jax.experimental.pallas import tpu as pltpu
from jax.experimental.pallas import tpu_sc as plsc

EMB = 128
VOCAB = 27
PEP = 31
BATCH = 16384
ROWS = BATCH * PEP
NC, NS = 2, 16
NW = NC * NS
KROW = 4 * PEP
NCHUNK = ROWS // NW // KROW
NBUF = 4


def _prep_body(x_ref, aa_ref, pos_ref, comb_ref, idx_ref):
    comb = aa_ref[...][:, None, :] + pos_ref[...][None, :, :]
    comb_ref[...] = comb.reshape(VOCAB * PEP, EMB)
    p = lax.broadcasted_iota(jnp.int32, (BATCH, PEP), 1)
    idx_ref[...] = x_ref[...] * PEP + p


def _prep(x, aa_table, pos_table):
    return pl.pallas_call(
        _prep_body,
        out_shape=(
            jax.ShapeDtypeStruct((VOCAB * PEP, EMB), jnp.float32),
            jax.ShapeDtypeStruct((BATCH, PEP), jnp.int32),
        ),
    )(x, aa_table, pos_table)


KB = 4
BPW = BATCH // NW


def _sc_gather(comb, idx3):
    mesh = plsc.VectorSubcoreMesh(core_axis_name="c", subcore_axis_name="s")

    @functools.partial(
        pl.kernel,
        mesh=mesh,
        out_type=jax.ShapeDtypeStruct((BATCH, PEP, EMB), jnp.float32),
        scratch_types=[
            pltpu.VMEM((NCHUNK, KROW), jnp.int32),
            *[pltpu.VMEM((KB, 32, EMB), jnp.float32) for _ in range(NBUF)],
            pltpu.VMEM_SHARED((VOCAB * PEP, EMB), jnp.float32),
            pltpu.SemaphoreType.DMA((NBUF,)),
            pltpu.SemaphoreType.DMA((NBUF,)),
        ],
    )
    def k(comb_hbm, idx_hbm, out_hbm, idx_all, r0, r1, r2, r3, comb_sp,
          gsem, osem):
        rows = [r0, r1, r2, r3]
        wid = lax.axis_index("s") * NC + lax.axis_index("c")
        base = wid * BPW
        pl.when(lax.axis_index("s") == 0)(
            lambda: pltpu.sync_copy(comb_hbm, comb_sp))
        pltpu.sync_copy(idx_hbm.at[wid], idx_all)
        plsc.subcore_barrier()

        def wait_gather(s):
            for i in range(KB):
                pltpu.make_async_copy(
                    comb_sp.at[idx_all.at[0, pl.ds(0, PEP)]],
                    rows[s].at[i].at[pl.ds(0, PEP)], gsem.at[s]).wait()

        def wait_out(s):
            pltpu.make_async_copy(
                rows[s].at[pl.ds(0, KB), pl.ds(0, PEP)],
                out_hbm.at[pl.ds(base, KB)], osem.at[s]).wait()

        def phys(j):
            jj = j + wid * NBUF
            return jnp.where(jj >= NCHUNK, jj - NCHUNK, jj)

        def start_gather(j, s):
            jp = phys(j)
            for i in range(KB):
                pltpu.async_copy(
                    comb_sp.at[idx_all.at[jp, pl.ds(i * PEP, PEP)]],
                    rows[s].at[i].at[pl.ds(0, PEP)], gsem.at[s])

        def start_out(j, s):
            pltpu.async_copy(
                rows[s].at[pl.ds(0, KB), pl.ds(0, PEP)],
                out_hbm.at[pl.ds(base + phys(j) * KB, KB)],
                osem.at[s])

        def body(g, _):
            for s in range(NBUF):
                j = g * NBUF + s
                pl.when(g > 0)(lambda s=s: wait_out(s))
                start_gather(j, s)
                ps = (s - 1) % NBUF
                if s == 0:
                    def prev(g=g, ps=ps):
                        wait_gather(ps)
                        start_out(g * NBUF - 1, ps)
                    pl.when(g > 0)(prev)
                else:
                    wait_gather(ps)
                    start_out(j - 1, ps)
            return 0

        lax.fori_loop(0, NCHUNK // NBUF, body, 0)
        wait_gather(NBUF - 1)
        start_out(NCHUNK - 1, NBUF - 1)
        for s in range(NBUF):
            wait_out(s)

    return k(comb, idx3)


def kernel(x, aa_table, pos_table):
    x32 = x.astype(jnp.int32)
    comb, idx = _prep(x32, aa_table, pos_table)
    return _sc_gather(comb, idx.reshape(NW, NCHUNK, KROW))

# --- scband reference (transcript-rebuilt; emitter-appended) ---
"""Pipeline reference for scband-adaptive-embedding-38414187495488 (READ-ONLY COPY).

The authoritative reference and input builder live on the scoring server;
editing this copy changes nothing except your own understanding.
"""

import jax, jax.numpy as jnp
import numpy as np

EMB = 128
VOCAB = 27
PEP = 31
BATCH = 16384

def setup_inputs(seed: int = 0) -> dict:
    key = jax.random.key(seed)
    k1, k2, k3 = jax.random.split(key, 3)
    x = jax.random.randint(k1, (BATCH, PEP), 0, VOCAB, dtype=jnp.int64)
    aa_table = jax.random.normal(k2, (VOCAB, EMB), dtype=jnp.float32)
    pos_table = jax.random.normal(k3, (PEP, EMB), dtype=jnp.float32)
    return {"x": x, "aa_table": aa_table, "pos_table": pos_table}

def reference(x, aa_table, pos_table):
    # positionIndex = arange(31) expanded to x's shape
    position_index = jnp.arange(PEP, dtype=jnp.int64)
    position_index = jnp.broadcast_to(position_index[None, :], x.shape)
    embedding = jnp.take(aa_table, x, axis=0) + jnp.take(pos_table, position_index, axis=0)
    return embedding

if __name__ == "__main__":
    import jax
    _d = setup_inputs()
    print(jax.jit(kernel)(*tuple(_d.values())))

</pallas_src>

<mosaic_0001>
#map = affine_map<(d0, d1) -> (0, 0)>
#map1 = affine_map<(d0, d1) -> (0, 0, 0)>
module attributes {stable_mosaic.version = 14 : i64} {
  func.func @k(%arg0: i32, %arg1: i32, %arg2: memref<837x128xf32, #tpu.memory_space<hbm>>, %arg3: memref<32x128x124xi32, #tpu.memory_space<hbm>>, %arg4: memref<16384x31x128xf32, #tpu.memory_space<hbm>>, %arg5: memref<128x124xi32, #tpu.memory_space<vmem>>, %arg6: memref<4x32x128xf32, #tpu.memory_space<vmem>>, %arg7: memref<4x32x128xf32, #tpu.memory_space<vmem>>, %arg8: memref<4x32x128xf32, #tpu.memory_space<vmem>>, %arg9: memref<4x32x128xf32, #tpu.memory_space<vmem>>, %arg10: memref<837x128xf32, #tpu.memory_space<vmem_shared>>, %arg11: memref<4x!tpu.dma_semaphore, #tpu.memory_space<semaphore_mem>>, %arg12: memref<4x!tpu.dma_semaphore, #tpu.memory_space<semaphore_mem>>) attributes {dimension_semantics = [#tpu.dimension_semantics<core_parallel>, #tpu.dimension_semantics<subcore_parallel>], iteration_bounds = array<i64: 2, 16>, scalar_prefetch = 0 : i64, scratch_operands = 8 : i64, tpu.core_type = #tpu.core_type<sc_vector_subcore>, window_params = [{transform_indices = #map}, {transform_indices = #map1}, {transform_indices = #map1}]} {
    %mul3A = arith.constant 2 : i32
    %mul3A_0 = arith.muli %arg1, %mul3A : i32
    %add3A = arith.addi %mul3A_0, %arg0 : i32
    %mul3A_1 = arith.constant 512 : i32
    %mul3A_2 = arith.muli %add3A, %mul3A_1 : i32
    %eq3A = arith.constant 0 : i32
    %eq3A_3 = arith.cmpi eq, %arg1, %eq3A : i32
    %convert_element_type3A = arith.extui %eq3A_3 : i1 to i32
    %cond3A = arith.constant 0 : i32
    %cond3A_4 = arith.cmpi ne, %convert_element_type3A, %cond3A : i32
    scf.if %cond3A_4 {
      "tpu.region"() ({
        %run_scoped3A = tpu.sem_alloc : memref<!tpu.dma_semaphore, #tpu.memory_space<semaphore_mem>>
        tpu.enqueue_dma source(%arg2 : memref<837x128xf32, #tpu.memory_space<hbm>>) target(%arg10 : memref<837x128xf32, #tpu.memory_space<vmem_shared>>) target_semaphore(%run_scoped3A : memref<!tpu.dma_semaphore, #tpu.memory_space<semaphore_mem>>)
        tpu.wait_dma2 semaphore(%run_scoped3A : memref<!tpu.dma_semaphore, #tpu.memory_space<semaphore_mem>>) src(%arg2 : memref<837x128xf32, #tpu.memory_space<hbm>>) dst(%arg10 : memref<837x128xf32, #tpu.memory_space<vmem_shared>>)
        tpu.yield
      }) : () -> ()
    } else {
    }
    "tpu.region"() ({
      %run_scoped3A = tpu.sem_alloc : memref<!tpu.dma_semaphore, #tpu.memory_space<semaphore_mem>>
      %dma_start3A_175 = arith.constant 0 : i32
      %dma_start3A_176 = arith.constant 0 : i32
      %dma_start3A_177 = tpu.memref_slice %arg3[%add3A, %dma_start3A_175, %dma_start3A_176] : memref<32x128x124xi32, #tpu.memory_space<hbm>> -> memref<1x128x124xi32, #tpu.memory_space<hbm>>
      %dma_start3A_178 = tpu.memref_squeeze %dma_start3A_177 : memref<1x128x124xi32, #tpu.memory_space<hbm>> -> memref<128x124xi32, #tpu.memory_space<hbm>>
      %dma_start3A_179 = arith.constant 0 : i32
      %dma_start3A_180 = arith.constant 0 : i32
      %dma_start3A_181 = tpu.memref_slice %arg3[%add3A, %dma_start3A_179, %dma_start3A_180] : memref<32x128x124xi32, #tpu.memory_space<hbm>> -> memref<1x128x124xi32, #tpu.memory_space<hbm>>
      %dma_start3A_182 = tpu.memref_squeeze %dma_start3A_181 : memref<1x128x124xi32, #tpu.memory_space<hbm>> -> memref<128x124xi32, #tpu.memory_space<hbm>>
      tpu.enqueue_dma source(%dma_start3A_182 : memref<128x124xi32, #tpu.memory_space<hbm>>) target(%arg5 : memref<128x124xi32, #tpu.memory_space<vmem>>) target_semaphore(%run_scoped3A : memref<!tpu.dma_semaphore, #tpu.memory_space<semaphore_mem>>)
      %dma_wait3A_183 = arith.constant 0 : i32
      %dma_wait3A_184 = arith.constant 0 : i32
      %dma_wait3A_185 = tpu.memref_slice %arg3[%add3A, %dma_wait3A_183, %dma_wait3A_184] : memref<32x128x124xi32, #tpu.memory_space<hbm>> -> memref<1x128x124xi32, #tpu.memory_space<hbm>>
      %dma_wait3A_186 = tpu.memref_squeeze %dma_wait3A_185 : memref<1x128x124xi32, #tpu.memory_space<hbm>> -> memref<128x124xi32, #tpu.memory_space<hbm>>
      %dma_wait3A_187 = arith.constant 0 : i32
      %dma_wait3A_188 = arith.constant 0 : i32
      %dma_wait3A_189 = tpu.memref_slice %arg3[%add3A, %dma_wait3A_187, %dma_wait3A_188] : memref<32x128x124xi32, #tpu.memory_space<hbm>> -> memref<1x128x124xi32, #tpu.memory_space<hbm>>
      %dma_wait3A_190 = tpu.memref_squeeze %dma_wait3A_189 : memref<1x128x124xi32, #tpu.memory_space<hbm>> -> memref<128x124xi32, #tpu.memory_space<hbm>>
      tpu.wait_dma2 semaphore(%run_scoped3A : memref<!tpu.dma_semaphore, #tpu.memory_space<semaphore_mem>>) src(%dma_wait3A_190 : memref<128x124xi32, #tpu.memory_space<hbm>>) dst(%arg5 : memref<128x124xi32, #tpu.memory_space<vmem>>)
      tpu.yield
    }) : () -> ()
    %barrier3A = arith.constant 0 : index
    tpu.barrier barrier_id(%barrier3A)
    %scan3A = arith.constant 0 : i32
    %scan3A_5 = arith.constant 0 : i32
    %scan3A_6 = arith.constant 32 : i32
    %scan3A_7 = arith.addi %scan3A_5, %scan3A_6 : i32
    %scan3A_8 = arith.constant 1 : i32
    %scan3A_9 = scf.for %scan3A_175 = %scan3A_5 to %scan3A_7 step %scan3A_8 iter_args(%scan3A_176 = %scan3A) -> (i32)  : i32 {
      %mul3A_177 = arith.constant 4 : i32
      %mul3A_178 = arith.muli %scan3A_175, %mul3A_177 : i32
      %add3A_179 = arith.constant 0 : i32
      %add3A_180 = arith.addi %mul3A_178, %add3A_179 : i32
      %gt3A = arith.constant 0 : i32
      %gt3A_181 = arith.cmpi sgt, %scan3A_175, %gt3A : i32
      %convert_element_type3A_182 = arith.extui %gt3A_181 : i1 to i32
      %cond3A_183 = arith.constant 0 : i32
      %cond3A_184 = arith.cmpi ne, %convert_element_type3A_182, %cond3A_183 : i32
      scf.if %cond3A_184 {
        %dma_wait3A_828 = arith.constant 0 : i32
        %dma_wait3A_829 = arith.constant 0 : i32
        %dma_wait3A_830 = arith.constant 0 : i32
        %dma_wait3A_831 = arith.constant 0 : i32
        %dma_wait3A_832 = tpu.memref_slice %arg6[%dma_wait3A_829, %dma_wait3A_830, %dma_wait3A_831] : memref<4x32x128xf32, #tpu.memory_space<vmem>> -> memref<4x31x128xf32, #tpu.memory_space<vmem>>
        %dma_wait3A_833 = arith.constant 0 : i32
        %dma_wait3A_834 = arith.constant 0 : i32
        %dma_wait3A_835 = tpu.memref_slice %arg4[%mul3A_2, %dma_wait3A_833, %dma_wait3A_834] : memref<16384x31x128xf32, #tpu.memory_space<hbm>> -> memref<4x31x128xf32, #tpu.memory_space<hbm>>
        %dma_wait3A_836 = tpu.memref_slice %arg12[%dma_wait3A_828] : memref<4x!tpu.dma_semaphore, #tpu.memory_space<semaphore_mem>> -> memref<1x!tpu.dma_semaphore, #tpu.memory_space<semaphore_mem>>
        %dma_wait3A_837 = tpu.memref_squeeze %dma_wait3A_836 : memref<1x!tpu.dma_semaphore, #tpu.memory_space<semaphore_mem>> -> memref<!tpu.dma_semaphore, #tpu.memory_space<semaphore_mem>>
        %dma_wait3A_838 = arith.constant 0 : i32
        %dma_wait3A_839 = arith.constant 0 : i32
        %dma_wait3A_840 = tpu.memref_slice %arg4[%mul3A_2, %dma_wait3A_838, %dma_wait3A_839] : memref<16384x31x128xf32, #tpu.memory_space<hbm>> -> memref<4x31x128xf32, #tpu.memory_space<hbm>>
        %dma_wait3A_841 = arith.constant 0 : i32
        %dma_wait3A_842 = arith.constant 0 : i32
        %dma_wait3A_843 = arith.constant 0 : i32
        %dma_wait3A_844 = tpu.memref_slice %arg6[%dma_wait3A_841, %dma_wait3A_842, %dma_wait3A_843] : memref<4x32x128xf32, #tpu.memory_space<vmem>> -> memref<4x31x128xf32, #tpu.memory_space<vmem>>
        tpu.wait_dma2 semaphore(%dma_wait3A_837 : memref<!tpu.dma_semaphore, #tpu.memory_space<semaphore_mem>>) src(%dma_wait3A_844 : memref<4x31x128xf32, #tpu.memory_space<vmem>>) dst(%dma_wait3A_840 : memref<4x31x128xf32, #tpu.memory_space<hbm>>)
      } else {
      }
      %mul3A_185 = arith.constant 4 : i32
      %mul3A_186 = arith.muli %add3A, %mul3A_185 : i32
      %add3A_187 = arith.addi %add3A_180, %mul3A_186 : i32
      %ge3A_188 = arith.constant 128 : i32
      %ge3A_189 = arith.cmpi sge, %add3A_187, %ge3A_188 : i32
      %sub3A_190 = arith.constant 128 : i32
      %sub3A_191 = arith.subi %add3A_187, %sub3A_190 : i32
      %select_n3A_192 = arith.select %ge3A_189, %sub3A_191, %add3A_187 : i32
      %dma_start3A_193 = arith.constant 0 : i32
      %dma_start3A_194 = arith.constant 0 : i32
      %dma_start3A_195 = arith.constant 0 : i32
      %dma_start3A_196 = arith.constant 0 : i32
      %dma_start3A_197 = tpu.memref_slice %arg6[%dma_start3A_193, %dma_start3A_195, %dma_start3A_196] : memref<4x32x128xf32, #tpu.memory_space<vmem>> -> memref<1x32x128xf32, #tpu.memory_space<vmem>>
      %dma_start3A_198 = tpu.memref_squeeze %dma_start3A_197 : memref<1x32x128xf32, #tpu.memory_space<vmem>> -> memref<32x128xf32, #tpu.memory_space<vmem>>
      %dma_start3A_199 = arith.constant 0 : i32
      %dma_start3A_200 = arith.constant 0 : i32
      %dma_start3A_201 = tpu.memref_slice %dma_start3A_198[%dma_start3A_199, %dma_start3A_200] : memref<32x128xf32, #tpu.memory_space<vmem>> -> memref<31x128xf32, #tpu.memory_space<vmem>>
      %dma_start3A_202 = arith.constant 0 : i32
      %dma_start3A_203 = tpu.memref_slice %arg5[%select_n3A_192, %dma_start3A_202] : memref<128x124xi32, #tpu.memory_space<vmem>> -> memref<1x31xi32, #tpu.memory_space<vmem>>
      %dma_start3A_204 = tpu.memref_squeeze %dma_start3A_203 : memref<1x31xi32, #tpu.memory_space<vmem>> -> memref<31xi32, #tpu.memory_space<vmem>>
      %dma_start3A_205 = arith.constant 0 : i32
      %dma_start3A_206 = arith.constant 0 : i32
      %dma_start3A_207 = tpu.memref_slice %arg10[%dma_start3A_205, %dma_start3A_206] : memref<837x128xf32, #tpu.memory_space<vmem_shared>> -> memref<837x128xf32, #tpu.memory_space<vmem_shared>>
      %dma_start3A_208 = tpu.memref_slice %arg11[%dma_start3A_194] : memref<4x!tpu.dma_semaphore, #tpu.memory_space<semaphore_mem>> -> memref<1x!tpu.dma_semaphore, #tpu.memory_space<semaphore_mem>>
      %dma_start3A_209 = tpu.memref_squeeze %dma_start3A_208 : memref<1x!tpu.dma_semaphore, #tpu.memory_space<semaphore_mem>> -> memref<!tpu.dma_semaphore, #tpu.memory_space<semaphore_mem>>
      tpu.enqueue_indirect_dma source(%dma_start3A_207 : memref<837x128xf32, #tpu.memory_space<vmem_shared>>) target(%dma_start3A_201 : memref<31x128xf32, #tpu.memory_space<vmem>>) offsets(%dma_start3A_204 : memref<31xi32, #tpu.memory_space<vmem>>) semaphore(%dma_start3A_209 : memref<!tpu.dma_semaphore, #tpu.memory_space<semaphore_mem>>)
      %dma_start3A_210 = arith.constant 1 : i32
      %dma_start3A_211 = arith.constant 0 : i32
      %dma_start3A_212 = arith.constant 0 : i32
      %dma_start3A_213 = arith.constant 0 : i32
      %dma_start3A_214 = tpu.memref_slice %arg6[%dma_start3A_210, %dma_start3A_212, %dma_start3A_213] : memref<4x32x128xf32, #tpu.memory_space<vmem>> -> memref<1x32x128xf32, #tpu.memory_space<vmem>>
      %dma_start3A_215 = tpu.memref_squeeze %dma_start3A_214 : memref<1x32x128xf32, #tpu.memory_space<vmem>> -> memref<32x128xf32, #tpu.memory_space<vmem>>
      %dma_start3A_216 = arith.constant 0 : i32
      %dma_start3A_217 = arith.constant 0 : i32
      %dma_start3A_218 = tpu.memref_slice %dma_start3A_215[%dma_start3A_216, %dma_start3A_217] : memref<32x128xf32, #tpu.memory_space<vmem>> -> memref<31x128xf32, #tpu.memory_space<vmem>>
      %dma_start3A_219 = arith.constant 31 : i32
      %dma_start3A_220 = tpu.memref_slice %arg5[%select_n3A_192, %dma_start3A_219] : memref<128x124xi32, #tpu.memory_space<vmem>> -> memref<1x31xi32, #tpu.memory_space<vmem>>
      %dma_start3A_221 = tpu.memref_squeeze %dma_start3A_220 : memref<1x31xi32, #tpu.memory_space<vmem>> -> memref<31xi32, #tpu.memory_space<vmem>>
      %dma_start3A_222 = arith.constant 0 : i32
      %dma_start3A_223 = arith.constant 0 : i32
      %dma_start3A_224 = tpu.memref_slice %arg10[%dma_start3A_222, %dma_start3A_223] : memref<837x128xf32, #tpu.memory_space<vmem_shared>> -> memref<837x128xf32, #tpu.memory_space<vmem_shared>>
      %dma_start3A_225 = tpu.memref_slice %arg11[%dma_start3A_211] : memref<4x!tpu.dma_semaphore, #tpu.memory_space<semaphore_mem>> -> memref<1x!tpu.dma_semaphore, #tpu.memory_space<semaphore_mem>>
      %dma_start3A_226 = tpu.memref_squeeze %dma_start3A_225 : memref<1x!tpu.dma_semaphore, #tpu.memory_space<semaphore_mem>> -> memref<!tpu.dma_semaphore, #tpu.memory_space<semaphore_mem>>
      tpu.enqueue_indirect_dma source(%dma_start3A_224 : memref<837x128xf32, #tpu.memory_space<vmem_shared>>) target(%dma_start3A_218 : memref<31x128xf32, #tpu.memory_space<vmem>>) offsets(%dma_start3A_221 : memref<31xi32, #tpu.memory_space<vmem>>) semaphore(%dma_start3A_226 : memref<!tpu.dma_semaphore, #tpu.memory_space<semaphore_mem>>)
      %dma_start3A_227 = arith.constant 2 : i32
      %dma_start3A_228 = arith.constant 0 : i32
      %dma_start3A_229 = arith.constant 0 : i32
      %dma_start3A_230 = arith.constant 0 : i32
      %dma_start3A_231 = tpu.memref_slice %arg6[%dma_start3A_227, %dma_start3A_229, %dma_start3A_230] : memref<4x32x128xf32, #tpu.memory_space<vmem>> -> memref<1x32x128xf32, #tpu.memory_space<vmem>>
      %dma_start3A_232 = tpu.memref_squeeze %dma_start3A_231 : memref<1x32x128xf32, #tpu.memory_space<vmem>> -> memref<32x128xf32, #tpu.memory_space<vmem>>
      %dma_start3A_233 = arith.constant 0 : i32
      %dma_start3A_234 = arith.constant 0 : i32
      %dma_start3A_235 = tpu.memref_slice %dma_start3A_232[%dma_start3A_233, %dma_start3A_234] : memref<32x128xf32, #tpu.memory_space<vmem>> -> memref<31x128xf32, #tpu.memory_space<vmem>>
      %dma_start3A_236 = arith.constant 62 : i32
      %dma_start3A_237 = tpu.memref_slice %arg5[%select_n3A_192, %dma_start3A_236] : memref<128x124xi32, #tpu.memory_space<vmem>> -> memref<1x31xi32, #tpu.memory_space<vmem>>
      %dma_start3A_238 = tpu.memref_squeeze %dma_start3A_237 : memref<1x31xi32, #tpu.memory_space<vmem>> -> memref<31xi32, #tpu.memory_space<vmem>>
      %dma_start3A_239 = arith.constant 0 : i32
      %dma_start3A_240 = arith.constant 0 : i32
      %dma_start3A_241 = tpu.memref_slice %arg10[%dma_start3A_239, %dma_start3A_240] : memref<837x128xf32, #tpu.memory_space<vmem_shared>> -> memref<837x128xf32, #tpu.memory_space<vmem_shared>>
      %dma_start3A_242 = tpu.memref_slice %arg11[%dma_start3A_228] : memref<4x!tpu.dma_semaphore, #tpu.memory_space<semaphore_mem>> -> memref<1x!tpu.dma_semaphore, #tpu.memory_space<semaphore_mem>>
      %dma_start3A_243 = tpu.memref_squeeze %dma_start3A_242 : memref<1x!tpu.dma_semaphore, #tpu.memory_space<semaphore_mem>> -> memref<!tpu.dma_semaphore, #tpu.memory_space<semaphore_mem>>
      tpu.enqueue_indirect_dma source(%dma_start3A_241 : memref<837x128xf32, #tpu.memory_space<vmem_shared>>) target(%dma_start3A_235 : memref<31x128xf32, #tpu.memory_space<vmem>>) offsets(%dma_start3A_238 : memref<31xi32, #tpu.memory_space<vmem>>) semaphore(%dma_start3A_243 : memref<!tpu.dma_semaphore, #tpu.memory_space<semaphore_mem>>)
      %dma_start3A_244 = arith.constant 3 : i32
      %dma_start3A_245 = arith.constant 0 : i32
      %dma_start3A_246 = arith.constant 0 : i32
      %dma_start3A_247 = arith.constant 0 : i32
      %dma_start3A_248 = tpu.memref_slice %arg6[%dma_start3A_244, %dma_start3A_246, %dma_start3A_247] : memref<4x32x128xf32, #tpu.memory_space<vmem>> -> memref<1x32x128xf32, #tpu.memory_space<vmem>>
      %dma_start3A_249 = tpu.memref_squeeze %dma_start3A_248 : memref<1x32x128xf32, #tpu.memory_space<vmem>> -> memref<32x128xf32, #tpu.memory_space<vmem>>
      %dma_start3A_250 = arith.constant 0 : i32
      %dma_start3A_251 = arith.constant 0 : i32
      %dma_start3A_252 = tpu.memref_slice %dma_start3A_249[%dma_start3A_250, %dma_start3A_251] : memref<32x128xf32, #tpu.memory_space<vmem>> -> memref<31x128xf32, #tpu.memory_space<vmem>>
      %dma_start3A_253 = arith.constant 93 : i32
      %dma_start3A_254 = tpu.memref_slice %arg5[%select_n3A_192, %dma_start3A_253] : memref<128x124xi32, #tpu.memory_space<vmem>> -> memref<1x31xi32, #tpu.memory_space<vmem>>
      %dma_start3A_255 = tpu.memref_squeeze %dma_start3A_254 : memref<1x31xi32, #tpu.memory_space<vmem>> -> memref<31xi32, #tpu.memory_space<vmem>>
      %dma_start3A_256 = arith.constant 0 : i32
      %dma_start3A_257 = arith.constant 0 : i32
      %dma_start3A_258 = tpu.memref_slice %arg10[%dma_start3A_256, %dma_start3A_257] : memref<837x128xf32, #tpu.memory_space<vmem_shared>> -> memref<837x128xf32, #tpu.memory_space<vmem_shared>>
      %dma_start3A_259 = tpu.memref_slice %arg11[%dma_start3A_245] : memref<4x!tpu.dma_semaphore, #tpu.memory_space<semaphore_mem>> -> memref<1x!tpu.dma_semaphore, #tpu.memory_space<semaphore_mem>>
      %dma_start3A_260 = tpu.memref_squeeze %dma_start3A_259 : memref<1x!tpu.dma_semaphore, #tpu.memory_space<semaphore_mem>> -> memref<!tpu.dma_semaphore, #tpu.memory_space<semaphore_mem>>
      tpu.enqueue_indirect_dma source(%dma_start3A_258 : memref<837x128xf32, #tpu.memory_space<vmem_shared>>) target(%dma_start3A_252 : memref<31x128xf32, #tpu.memory_space<vmem>>) offsets(%dma_start3A_255 : memref<31xi32, #tpu.memory_space<vmem>>) semaphore(%dma_start3A_260 : memref<!tpu.dma_semaphore, #tpu.memory_space<semaphore_mem>>)
      %gt3A_261 = arith.constant 0 : i32
      %gt3A_262 = arith.cmpi sgt, %scan3A_175, %gt3A_261 : i32
      %convert_element_type3A_263 = arith.extui %gt3A_262 : i1 to i32
      %cond3A_264 = arith.constant 0 : i32
      %cond3A_265 = arith.cmpi ne, %convert_element_type3A_263, %cond3A_264 : i32
      scf.if %cond3A_265 {
        %dma_wait3A_828 = arith.constant 0 : i32
        %dma_wait3A_829 = arith.constant 0 : i32
        %dma_wait3A_830 = arith.constant 3 : i32
        %dma_wait3A_831 = arith.constant 0 : i32
        %dma_wait3A_832 = arith.constant 0 : i32
        %dma_wait3A_833 = tpu.memref_slice %arg9[%dma_wait3A_829, %dma_wait3A_831, %dma_wait3A_832] : memref<4x32x128xf32, #tpu.memory_space<vmem>> -> memref<1x32x128xf32, #tpu.memory_space<vmem>>
        %dma_wait3A_834 = tpu.memref_squeeze %dma_wait3A_833 : memref<1x32x128xf32, #tpu.memory_space<vmem>> -> memref<32x128xf32, #tpu.memory_space<vmem>>
        %dma_wait3A_835 = arith.constant 0 : i32
        %dma_wait3A_836 = arith.constant 0 : i32
        %dma_wait3A_837 = tpu.memref_slice %dma_wait3A_834[%dma_wait3A_835, %dma_wait3A_836] : memref<32x128xf32, #tpu.memory_space<vmem>> -> memref<31x128xf32, #tpu.memory_space<vmem>>
        %dma_wait3A_838 = arith.constant 0 : i32
        %dma_wait3A_839 = tpu.memref_slice %arg5[%dma_wait3A_828, %dma_wait3A_838] : memref<128x124xi32, #tpu.memory_space<vmem>> -> memref<1x31xi32, #tpu.memory_space<vmem>>
        %dma_wait3A_840 = tpu.memref_squeeze %dma_wait3A_839 : memref<1x31xi32, #tpu.memory_space<vmem>> -> memref<31xi32, #tpu.memory_space<vmem>>
        %dma_wait3A_841 = arith.constant 0 : i32
        %dma_wait3A_842 = arith.constant 0 : i32
        %dma_wait3A_843 = tpu.memref_slice %arg10[%dma_wait3A_841, %dma_wait3A_842] : memref<837x128xf32, #tpu.memory_space<vmem_shared>> -> memref<837x128xf32, #tpu.memory_space<vmem_shared>>
        %dma_wait3A_844 = tpu.memref_slice %arg11[%dma_wait3A_830] : memref<4x!tpu.dma_semaphore, #tpu.memory_space<semaphore_mem>> -> memref<1x!tpu.dma_semaphore, #tpu.memory_space<semaphore_mem>>
        %dma_wait3A_845 = tpu.memref_squeeze %dma_wait3A_844 : memref<1x!tpu.dma_semaphore, #tpu.memory_space<semaphore_mem>> -> memref<!tpu.dma_semaphore, #tpu.memory_space<semaphore_mem>>
        tpu.wait_indirect_dma semaphore(%dma_wait3A_845 : memref<!tpu.dma_semaphore, #tpu.memory_space<semaphore_mem>>) src(%dma_wait3A_843 : memref<837x128xf32, #tpu.memory_space<vmem_shared>>) dst(%dma_wait3A_837 : memref<31x128xf32, #tpu.memory_space<vmem>>)
        %dma_wait3A_846 = arith.constant 0 : i32
        %dma_wait3A_847 = arith.constant 1 : i32
        %dma_wait3A_848 = arith.constant 3 : i32
        %dma_wait3A_849 = arith.constant 0 : i32
        %dma_wait3A_850 = arith.constant 0 : i32
        %dma_wait3A_851 = tpu.memref_slice %arg9[%dma_wait3A_847, %dma_wait3A_849, %dma_wait3A_850] : memref<4x32x128xf32, #tpu.memory_space<vmem>> -> memref<1x32x128xf32, #tpu.memory_space<vmem>>
        %dma_wait3A_852 = tpu.memref_squeeze %dma_wait3A_851 : memref<1x32x128xf32, #tpu.memory_space<vmem>> -> memref<32x128xf32, #tpu.memory_space<vmem>>
        %dma_wait3A_853 = arith.constant 0 : i32
        %dma_wait3A_854 = arith.constant 0 : i32
        %dma_wait3A_855 = tpu.memref_slice %dma_wait3A_852[%dma_wait3A_853, %dma_wait3A_854] : memref<32x128xf32, #tpu.memory_space<vmem>> -> memref<31x128xf32, #tpu.memory_space<vmem>>
        %dma_wait3A_856 = arith.constant 0 : i32
        %dma_wait3A_857 = tpu.memref_slice %arg5[%dma_wait3A_846, %dma_wait3A_856] : memref<128x124xi32, #tpu.memory_space<vmem>> -> memref<1x31xi32, #tpu.memory_space<vmem>>
        %dma_wait3A_858 = tpu.memref_squeeze %dma_wait3A_857 : memref<1x31xi32, #tpu.memory_space<vmem>> -> memref<31xi32, #tpu.memory_space<vmem>>
        %dma_wait3A_859 = arith.constant 0 : i32
        %dma_wait3A_860 = arith.constant 0 : i32
        %dma_wait3A_861 = tpu.memref_slice %arg10[%dma_wait3A_859, %dma_wait3A_860] : memref<837x128xf32, #tpu.memory_space<vmem_shared>> -> memref<837x128xf32, #tpu.memory_space<vmem_shared>>
        %dma_wait3A_862 = tpu.memref_slice %arg11[%dma_wait3A_848] : memref<4x!tpu.dma_semaphore, #tpu.memory_space<semaphore_mem>> -> memref<1x!tpu.dma_semaphore, #tpu.memory_space<semaphore_mem>>
        %dma_wait3A_863 = tpu.memref_squeeze %dma_wait3A_862 : memref<1x!tpu.dma_semaphore, #tpu.memory_space<semaphore_mem>> -> memref<!tpu.dma_semaphore, #tpu.memory_space<semaphore_mem>>
        tpu.wait_indirect_dma semaphore(%dma_wait3A_863 : memref<!tpu.dma_semaphore, #tpu.memory_space<semaphore_mem>>) src(%dma_wait3A_861 : memref<837x128xf32, #tpu.memory_space<vmem_shared>>) dst(%dma_wait3A_855 : memref<31x128xf32, #tpu.memory_space<vmem>>)
        %dma_wait3A_864 = arith.constant 0 : i32
        %dma_wait3A_865 = arith.constant 2 : i32
        %dma_wait3A_866 = arith.constant 3 : i32
        %dma_wait3A_867 = arith.constant 0 : i32
        %dma_wait3A_868 = arith.constant 0 : i32
        %dma_wait3A_869 = tpu.memref_slice %arg9[%dma_wait3A_865, %dma_wait3A_867, %dma_wait3A_868] : memref<4x32x128xf32, #tpu.memory_space<vmem>> -> memref<1x32x128xf32, #tpu.memory_space<vmem>>
        %dma_wait3A_870 = tpu.memref_squeeze %dma_wait3A_869 : memref<1x32x128xf32, #tpu.memory_space<vmem>> -> memref<32x128xf32, #tpu.memory_space<vmem>>
        %dma_wait3A_871 = arith.constant 0 : i32
        %dma_wait3A_872 = arith.constant 0 : i32
        %dma_wait3A_873 = tpu.memref_slice %dma_wait3A_870[%dma_wait3A_871, %dma_wait3A_872] : memref<32x128xf32, #tpu.memory_space<vmem>> -> memref<31x128xf32, #tpu.memory_space<vmem>>
        %dma_wait3A_874 = arith.constant 0 : i32
        %dma_wait3A_875 = tpu.memref_slice %arg5[%dma_wait3A_864, %dma_wait3A_874] : memref<128x124xi32, #tpu.memory_space<vmem>> -> memref<1x31xi32, #tpu.memory_space<vmem>>
        %dma_wait3A_876 = tpu.memref_squeeze %dma_wait3A_875 : memref<1x31xi32, #tpu.memory_space<vmem>> -> memref<31xi32, #tpu.memory_space<vmem>>
        %dma_wait3A_877 = arith.constant 0 : i32
        %dma_wait3A_878 = arith.constant 0 : i32
        %dma_wait3A_879 = tpu.memref_slice %arg10[%dma_wait3A_877, %dma_wait3A_878] : memref<837x128xf32, #tpu.memory_space<vmem_shared>> -> memref<837x128xf32, #tpu.memory_space<vmem_shared>>
        %dma_wait3A_880 = tpu.memref_slice %arg11[%dma_wait3A_866] : memref<4x!tpu.dma_semaphore, #tpu.memory_space<semaphore_mem>> -> memref<1x!tpu.dma_semaphore, #tpu.memory_space<semaphore_mem>>
        %dma_wait3A_881 = tpu.memref_squeeze %dma_wait3A_880 : memref<1x!tpu.dma_semaphore, #tpu.memory_space<semaphore_mem>> -> memref<!tpu.dma_semaphore, #tpu.memory_space<semaphore_mem>>
        tpu.wait_indirect_dma semaphore(%dma_wait3A_881 : memref<!tpu.dma_semaphore, #tpu.memory_space<semaphore_mem>>) src(%dma_wait3A_879 : memref<837x128xf32, #tpu.memory_space<vmem_shared>>) dst(%dma_wait3A_873 : memref<31x128xf32, #tpu.memory_space<vmem>>)
        %dma_wait3A_882 = arith.constant 0 : i32
        %dma_wait3A_883 = arith.constant 3 : i32
        %dma_wait3A_884 = arith.constant 3 : i32
        %dma_wait3A_885 = arith.constant 0 : i32
        %dma_wait3A_886 = arith.constant 0 : i32
        %dma_wait3A_887 = tpu.memref_slice %arg9[%dma_wait3A_883, %dma_wait3A_885, %dma_wait3A_886] : memref<4x32x128xf32, #tpu.memory_space<vmem>> -> memref<1x32x128xf32, #tpu.memory_space<vmem>>
        %dma_wait3A_888 = tpu.memref_squeeze %dma_wait3A_887 : memref<1x32x128xf32, #tpu.memory_space<vmem>> -> memref<32x128xf32, #tpu.memory_space<vmem>>
        %dma_wait3A_889 = arith.constant 0 : i32
        %dma_wait3A_890 = arith.constant 0 : i32
        %dma_wait3A_891 = tpu.memref_slice %dma_wait3A_888[%dma_wait3A_889, %dma_wait3A_890] : memref<32x128xf32, #tpu.memory_space<vmem>> -> memref<31x128xf32, #tpu.memory_space<vmem>>
        %dma_wait3A_892 = arith.constant 0 : i32
        %dma_wait3A_893 = tpu.memref_slice %arg5[%dma_wait3A_882, %dma_wait3A_892] : memref<128x124xi32, #tpu.memory_space<vmem>> -> memref<1x31xi32, #tpu.memory_space<vmem>>
        %dma_wait3A_894 = tpu.memref_squeeze %dma_wait3A_893 : memref<1x31xi32, #tpu.memory_space<vmem>> -> memref<31xi32, #tpu.memory_space<vmem>>
        %dma_wait3A_895 = arith.constant 0 : i32
        %dma_wait3A_896 = arith.constant 0 : i32
        %dma_wait3A_897 = tpu.memref_slice %arg10[%dma_wait3A_895, %dma_wait3A_896] : memref<837x128xf32, #tpu.memory_space<vmem_shared>> -> memref<837x128xf32, #tpu.memory_space<vmem_shared>>
        %dma_wait3A_898 = tpu.memref_slice %arg11[%dma_wait3A_884] : memref<4x!tpu.dma_semaphore, #tpu.memory_space<semaphore_mem>> -> memref<1x!tpu.dma_semaphore, #tpu.memory_space<semaphore_mem>>
        %dma_wait3A_899 = tpu.memref_squeeze %dma_wait3A_898 : memref<1x!tpu.dma_semaphore, #tpu.memory_space<semaphore_mem>> -> memref<!tpu.dma_semaphore, #tpu.memory_space<semaphore_mem>>
        tpu.wait_indirect_dma semaphore(%dma_wait3A_899 : memref<!tpu.dma_semaphore, #tpu.memory_space<semaphore_mem>>) src(%dma_wait3A_897 : memref<837x128xf32, #tpu.memory_space<vmem_shared>>) dst(%dma_wait3A_891 : memref<31x128xf32, #tpu.memory_space<vmem>>)
        %mul3A_900 = arith.constant 4 : i32
        %mul3A_901 = arith.muli %scan3A_175, %mul3A_900 : i32
        %sub3A_902 = arith.constant 1 : i32
        %sub3A_903 = arith.subi %mul3A_901, %sub3A_902 : i32
        %mul3A_904 = arith.constant 4 : i32
        %mul3A_905 = arith.muli %add3A, %mul3A_904 : i32
        %add3A_906 = arith.addi %sub3A_903, %mul3A_905 : i32
        %ge3A_907 = arith.constant 128 : i32
        %ge3A_908 = arith.cmpi sge, %add3A_906, %ge3A_907 : i32
        %sub3A_909 = arith.constant 128 : i32
        %sub3A_910 = arith.subi %add3A_906, %sub3A_909 : i32
        %select_n3A_911 = arith.select %ge3A_908, %sub3A_910, %add3A_906 : i32
        %mul3A_912 = arith.constant 4 : i32
        %mul3A_913 = arith.muli %select_n3A_911, %mul3A_912 : i32
        %add3A_914 = arith.addi %mul3A_2, %mul3A_913 : i32
        %dma_start3A_915 = arith.constant 3 : i32
        %dma_start3A_916 = arith.constant 0 : i32
        %dma_start3A_917 = arith.constant 0 : i32
        %dma_start3A_918 = arith.constant 0 : i32
        %dma_start3A_919 = tpu.memref_slice %arg9[%dma_start3A_916, %dma_start3A_917, %dma_start3A_918] : memref<4x32x128xf32, #tpu.memory_space<vmem>> -> memref<4x31x128xf32, #tpu.memory_space<vmem>>
        %dma_start3A_920 = arith.constant 0 : i32
        %dma_start3A_921 = arith.constant 0 : i32
        %dma_start3A_922 = tpu.memref_slice %arg4[%add3A_914, %dma_start3A_920, %dma_start3A_921] : memref<16384x31x128xf32, #tpu.memory_space<hbm>> -> memref<4x31x128xf32, #tpu.memory_space<hbm>>
        %dma_start3A_923 = tpu.memref_slice %arg12[%dma_start3A_915] : memref<4x!tpu.dma_semaphore, #tpu.memory_space<semaphore_mem>> -> memref<1x!tpu.dma_semaphore, #tpu.memory_space<semaphore_mem>>
        %dma_start3A_924 = tpu.memref_squeeze %dma_start3A_923 : memref<1x!tpu.dma_semaphore, #tpu.memory_space<semaphore_mem>> -> memref<!tpu.dma_semaphore, #tpu.memory_space<semaphore_mem>>
        %dma_start3A_925 = arith.constant 0 : i32
        %dma_start3A_926 = arith.constant 0 : i32
        %dma_start3A_927 = tpu.memref_slice %arg4[%add3A_914, %dma_start3A_925, %dma_start3A_926] : memref<16384x31x128xf32, #tpu.memory_space<hbm>> -> memref<4x31x128xf32, #tpu.memory_space<hbm>>
        %dma_start3A_928 = arith.constant 0 : i32
        %dma_start3A_929 = arith.constant 0 : i32
        %dma_start3A_930 = arith.constant 0 : i32
        %dma_start3A_931 = tpu.memref_slice %arg9[%dma_start3A_928, %dma_start3A_929, %dma_start3A_930] : memref<4x32x128xf32, #tpu.memory_space<vmem>> -> memref<4x31x128xf32, #tpu.memory_space<vmem>>
        tpu.enqueue_dma source(%dma_start3A_931 : memref<4x31x128xf32, #tpu.memory_space<vmem>>) target(%dma_start3A_927 : memref<4x31x128xf32, #tpu.memory_space<hbm>>) target_semaphore(%dma_start3A_924 : memref<!tpu.dma_semaphore, #tpu.memory_space<semaphore_mem>>)
      } else {
      }
      %mul3A_266 = arith.constant 4 : i32
      %mul3A_267 = arith.muli %scan3A_175, %mul3A_266 : i32
      %add3A_268 = arith.constant 1 : i32
      %add3A_269 = arith.addi %mul3A_267, %add3A_268 : i32
      %gt3A_270 = arith.constant 0 : i32
      %gt3A_271 = arith.cmpi sgt, %scan3A_175, %gt3A_270 : i32
      %convert_element_type3A_272 = arith.extui %gt3A_271 : i1 to i32
      %cond3A_273 = arith.constant 0 : i32
      %cond3A_274 = arith.cmpi ne, %convert_element_type3A_272, %cond3A_273 : i32
      scf.if %cond3A_274 {
        %dma_wait3A_828 = arith.constant 1 : i32
        %dma_wait3A_829 = arith.constant 0 : i32
        %dma_wait3A_830 = arith.constant 0 : i32
        %dma_wait3A_831 = arith.constant 0 : i32
        %dma_wait3A_832 = tpu.memref_slice %arg7[%dma_wait3A_829, %dma_wait3A_830, %dma_wait3A_831] : memref<4x32x128xf32, #tpu.memory_space<vmem>> -> memref<4x31x128xf32, #tpu.memory_space<vmem>>
        %dma_wait3A_833 = arith.constant 0 : i32
        %dma_wait3A_834 = arith.constant 0 : i32
        %dma_wait3A_835 = tpu.memref_slice %arg4[%mul3A_2, %dma_wait3A_833, %dma_wait3A_834] : memref<16384x31x128xf32, #tpu.memory_space<hbm>> -> memref<4x31x128xf32, #tpu.memory_space<hbm>>
        %dma_wait3A_836 = tpu.memref_slice %arg12[%dma_wait3A_828] : memref<4x!tpu.dma_semaphore, #tpu.memory_space<semaphore_mem>> -> memref<1x!tpu.dma_semaphore, #tpu.memory_space<semaphore_mem>>
        %dma_wait3A_837 = tpu.memref_squeeze %dma_wait3A_836 : memref<1x!tpu.dma_semaphore, #tpu.memory_space<semaphore_mem>> -> memref<!tpu.dma_semaphore, #tpu.memory_space<semaphore_mem>>
        %dma_wait3A_838 = arith.constant 0 : i32
        %dma_wait3A_839 = arith.constant 0 : i32
        %dma_wait3A_840 = tpu.memref_slice %arg4[%mul3A_2, %dma_wait3A_838, %dma_wait3A_839] : memref<16384x31x128xf32, #tpu.memory_space<hbm>> -> memref<4x31x128xf32, #tpu.memory_space<hbm>>
        %dma_wait3A_841 = arith.constant 0 : i32
        %dma_wait3A_842 = arith.constant 0 : i32
        %dma_wait3A_843 = arith.constant 0 : i32
        %dma_wait3A_844 = tpu.memref_slice %arg7[%dma_wait3A_841, %dma_wait3A_842, %dma_wait3A_843] : memref<4x32x128xf32, #tpu.memory_space<vmem>> -> memref<4x31x128xf32, #tpu.memory_space<vmem>>
        tpu.wait_dma2 semaphore(%dma_wait3A_837 : memref<!tpu.dma_semaphore, #tpu.memory_space<semaphore_mem>>) src(%dma_wait3A_844 : memref<4x31x128xf32, #tpu.memory_space<vmem>>) dst(%dma_wait3A_840 : memref<4x31x128xf32, #tpu.memory_space<hbm>>)
      } else {
      }
      %mul3A_275 = arith.constant 4 : i32
      %mul3A_276 = arith.muli %add3A, %mul3A_275 : i32
      %add3A_277 = arith.addi %add3A_269, %mul3A_276 : i32
      %ge3A_278 = arith.constant 128 : i32
      %ge3A_279 = arith.cmpi sge, %add3A_277, %ge3A_278 : i32
      %sub3A_280 = arith.constant 128 : i32
      %sub3A_281 = arith.subi %add3A_277, %sub3A_280 : i32
      %select_n3A_282 = arith.select %ge3A_279, %sub3A_281, %add3A_277 : i32
      %dma_start3A_283 = arith.constant 0 : i32
      %dma_start3A_284 = arith.constant 1 : i32
      %dma_start3A_285 = arith.constant 0 : i32
      %dma_start3A_286 = arith.constant 0 : i32
      %dma_start3A_287 = tpu.memref_slice %arg7[%dma_start3A_283, %dma_start3A_285, %dma_start3A_286] : memref<4x32x128xf32, #tpu.memory_space<vmem>> -> memref<1x32x128xf32, #tpu.memory_space<vmem>>
      %dma_start3A_288 = tpu.memref_squeeze %dma_start3A_287 : memref<1x32x128xf32, #tpu.memory_space<vmem>> -> memref<32x128xf32, #tpu.memory_space<vmem>>
      %dma_start3A_289 = arith.constant 0 : i32
      %dma_start3A_290 = arith.constant 0 : i32
      %dma_start3A_291 = tpu.memref_slice %dma_start3A_288[%dma_start3A_289, %dma_start3A_290] : memref<32x128xf32, #tpu.memory_space<vmem>> -> memref<31x128xf32, #tpu.memory_space<vmem>>
      %dma_start3A_292 = arith.constant 0 : i32
      %dma_start3A_293 = tpu.memref_slice %arg5[%select_n3A_282, %dma_start3A_292] : memref<128x124xi32, #tpu.memory_space<vmem>> -> memref<1x31xi32, #tpu.memory_space<vmem>>
      %dma_start3A_294 = tpu.memref_squeeze %dma_start3A_293 : memref<1x31xi32, #tpu.memory_space<vmem>> -> memref<31xi32, #tpu.memory_space<vmem>>
      %dma_start3A_295 = arith.constant 0 : i32
      %dma_start3A_296 = arith.constant 0 : i32
      %dma_start3A_297 = tpu.memref_slice %arg10[%dma_start3A_295, %dma_start3A_296] : memref<837x128xf32, #tpu.memory_space<vmem_shared>> -> memref<837x128xf32, #tpu.memory_space<vmem_shared>>
      %dma_start3A_298 = tpu.memref_slice %arg11[%dma_start3A_284] : memref<4x!tpu.dma_semaphore, #tpu.memory_space<semaphore_mem>> -> memref<1x!tpu.dma_semaphore, #tpu.memory_space<semaphore_mem>>
      %dma_start3A_299 = tpu.memref_squeeze %dma_start3A_298 : memref<1x!tpu.dma_semaphore, #tpu.memory_space<semaphore_mem>> -> memref<!tpu.dma_semaphore, #tpu.memory_space<semaphore_mem>>
      tpu.enqueue_indirect_dma source(%dma_start3A_297 : memref<837x128xf32, #tpu.memory_space<vmem_shared>>) target(%dma_start3A_291 : memref<31x128xf32, #tpu.memory_space<vmem>>) offsets(%dma_start3A_294 : memref<31xi32, #tpu.memory_space<vmem>>) semaphore(%dma_start3A_299 : memref<!tpu.dma_semaphore, #tpu.memory_space<semaphore_mem>>)
      %dma_start3A_300 = arith.constant 1 : i32
      %dma_start3A_301 = arith.constant 1 : i32
      %dma_start3A_302 = arith.constant 0 : i32
      %dma_start3A_303 = arith.constant 0 : i32
      %dma_start3A_304 = tpu.memref_slice %arg7[%dma_start3A_300, %dma_start3A_302, %dma_start3A_303] : memref<4x32x128xf32, #tpu.memory_space<vmem>> -> memref<1x32x128xf32, #tpu.memory_space<vmem>>
      %dma_start3A_305 = tpu.memref_squeeze %dma_start3A_304 : memref<1x32x128xf32, #tpu.memory_space<vmem>> -> memref<32x128xf32, #tpu.memory_space<vmem>>
      %dma_start3A_306 = arith.constant 0 : i32
      %dma_start3A_307 = arith.constant 0 : i32
      %dma_start3A_308 = tpu.memref_slice %dma_start3A_305[%dma_start3A_306, %dma_start3A_307] : memref<32x128xf32, #tpu.memory_space<vmem>> -> memref<31x128xf32, #tpu.memory_space<vmem>>
      %dma_start3A_309 = arith.constant 31 : i32
      %dma_start3A_310 = tpu.memref_slice %arg5[%select_n3A_282, %dma_start3A_309] : memref<128x124xi32, #tpu.memory_space<vmem>> -> memref<1x31xi32, #tpu.memory_space<vmem>>
      %dma_start3A_311 = tpu.memref_squeeze %dma_start3A_310 : memref<1x31xi32, #tpu.memory_space<vmem>> -> memref<31xi32, #tpu.memory_space<vmem>>
      %dma_start3A_312 = arith.constant 0 : i32
      %dma_start3A_313 = arith.constant 0 : i32
      %dma_start3A_314 = tpu.memref_slice %arg10[%dma_start3A_312, %dma_start3A_313] : memref<837x128xf32, #tpu.memory_space<vmem_shared>> -> memref<837x128xf32, #tpu.memory_space<vmem_shared>>
      %dma_start3A_315 = tpu.memref_slice %arg11[%dma_start3A_301] : memref<4x!tpu.dma_semaphore, #tpu.memory_space<semaphore_mem>> -> memref<1x!tpu.dma_semaphore, #tpu.memory_space<semaphore_mem>>
      %dma_start3A_316 = tpu.memref_squeeze %dma_start3A_315 : memref<1x!tpu.dma_semaphore, #tpu.memory_space<semaphore_mem>> -> memref<!tpu.dma_semaphore, #tpu.memory_space<semaphore_mem>>
      tpu.enqueue_indirect_dma source(%dma_start3A_314 : memref<837x128xf32, #tpu.memory_space<vmem_shared>>) target(%dma_start3A_308 : memref<31x128xf32, #tpu.memory_space<vmem>>) offsets(%dma_start3A_311 : memref<31xi32, #tpu.memory_space<vmem>>) semaphore(%dma_start3A_316 : memref<!tpu.dma_semaphore, #tpu.memory_space<semaphore_mem>>)
      %dma_start3A_317 = arith.constant 2 : i32
      %dma_start3A_318 = arith.constant 1 : i32
      %dma_start3A_319 = arith.constant 0 : i32
      %dma_start3A_320 = arith.constant 0 : i32
      %dma_start3A_321 = tpu.memref_slice %arg7[%dma_start3A_317, %dma_start3A_319, %dma_start3A_320] : memref<4x32x128xf32, #tpu.memory_space<vmem>> -> memref<1x32x128xf32, #tpu.memory_space<vmem>>
      %dma_start3A_322 = tpu.memref_squeeze %dma_start3A_321 : memref<1x32x128xf32, #tpu.memory_space<vmem>> -> memref<32x128xf32, #tpu.memory_space<vmem>>
      %dma_start3A_323 = arith.constant 0 : i32
      %dma_start3A_324 = arith.constant 0 : i32
      %dma_start3A_325 = tpu.memref_slice %dma_start3A_322[%dma_start3A_323, %dma_start3A_324] : memref<32x128xf32, #tpu.memory_space<vmem>> -> memref<31x128xf32, #tpu.memory_space<vmem>>
      %dma_start3A_326 = arith.constant 62 : i32
      %dma_start3A_327 = tpu.memref_slice %arg5[%select_n3A_282, %dma_start3A_326] : memref<128x124xi32, #tpu.memory_space<vmem>> -> memref<1x31xi32, #tpu.memory_space<vmem>>
      %dma_start3A_328 = tpu.memref_squeeze %dma_start3A_327 : memref<1x31xi32, #tpu.memory_space<vmem>> -> memref<31xi32, #tpu.memory_space<vmem>>
      %dma_start3A_329 = arith.constant 0 : i32
      %dma_start3A_330 = arith.constant 0 : i32
      %dma_start3A_331 = tpu.memref_slice %arg10[%dma_start3A_329, %dma_start3A_330] : memref<837x128xf32, #tpu.memory_space<vmem_shared>> -> memref<837x128xf32, #tpu.memory_space<vmem_shared>>
      %dma_start3A_332 = tpu.memref_slice %arg11[%dma_start3A_318] : memref<4x!tpu.dma_semaphore, #tpu.memory_space<semaphore_mem>> -> memref<1x!tpu.dma_semaphore, #tpu.memory_space<semaphore_mem>>
      %dma_start3A_333 = tpu.memref_squeeze %dma_start3A_332 : memref<1x!tpu.dma_semaphore, #tpu.memory_space<semaphore_mem>> -> memref<!tpu.dma_semaphore, #tpu.memory_space<semaphore_mem>>
      tpu.enqueue_indirect_dma source(%dma_start3A_331 : memref<837x128xf32, #tpu.memory_space<vmem_shared>>) target(%dma_start3A_325 : memref<31x128xf32, #tpu.memory_space<vmem>>) offsets(%dma_start3A_328 : memref<31xi32, #tpu.memory_space<vmem>>) semaphore(%dma_start3A_333 : memref<!tpu.dma_semaphore, #tpu.memory_space<semaphore_mem>>)
      %dma_start3A_334 = arith.constant 3 : i32
      %dma_start3A_335 = arith.constant 1 : i32
      %dma_start3A_336 = arith.constant 0 : i32
      %dma_start3A_337 = arith.constant 0 : i32
      %dma_start3A_338 = tpu.memref_slice %arg7[%dma_start3A_334, %dma_start3A_336, %dma_start3A_337] : memref<4x32x128xf32, #tpu.memory_space<vmem>> -> memref<1x32x128xf32, #tpu.memory_space<vmem>>
      %dma_start3A_339 = tpu.memref_squeeze %dma_start3A_338 : memref<1x32x128xf32, #tpu.memory_space<vmem>> -> memref<32x128xf32, #tpu.memory_space<vmem>>
      %dma_start3A_340 = arith.constant 0 : i32
      %dma_start3A_341 = arith.constant 0 : i32
      %dma_start3A_342 = tpu.memref_slice %dma_start3A_339[%dma_start3A_340, %dma_start3A_341] : memref<32x128xf32, #tpu.memory_space<vmem>> -> memref<31x128xf32, #tpu.memory_space<vmem>>
      %dma_start3A_343 = arith.constant 93 : i32
      %dma_start3A_344 = tpu.memref_slice %arg5[%select_n3A_282, %dma_start3A_343] : memref<128x124xi32, #tpu.memory_space<vmem>> -> memref<1x31xi32, #tpu.memory_space<vmem>>
      %dma_start3A_345 = tpu.memref_squeeze %dma_start3A_344 : memref<1x31xi32, #tpu.memory_space<vmem>> -> memref<31xi32, #tpu.memory_space<vmem>>
      %dma_start3A_346 = arith.constant 0 : i32
      %dma_start3A_347 = arith.constant 0 : i32
      %dma_start3A_348 = tpu.memref_slice %arg10[%dma_start3A_346, %dma_start3A_347] : memref<837x128xf32, #tpu.memory_space<vmem_shared>> -> memref<837x128xf32, #tpu.memory_space<vmem_shared>>
      %dma_start3A_349 = tpu.memref_slice %arg11[%dma_start3A_335] : memref<4x!tpu.dma_semaphore, #tpu.memory_space<semaphore_mem>> -> memref<1x!tpu.dma_semaphore, #tpu.memory_space<semaphore_mem>>
      %dma_start3A_350 = tpu.memref_squeeze %dma_start3A_349 : memref<1x!tpu.dma_semaphore, #tpu.memory_space<semaphore_mem>> -> memref<!tpu.dma_semaphore, #tpu.memory_space<semaphore_mem>>
      tpu.enqueue_indirect_dma source(%dma_start3A_348 : memref<837x128xf32, #tpu.memory_space<vmem_shared>>) target(%dma_start3A_342 : memref<31x128xf32, #tpu.memory_space<vmem>>) offsets(%dma_start3A_345 : memref<31xi32, #tpu.memory_space<vmem>>) semaphore(%dma_start3A_350 : memref<!tpu.dma_semaphore, #tpu.memory_space<semaphore_mem>>)
      %dma_wait3A_351 = arith.constant 0 : i32
      %dma_wait3A_352 = arith.constant 0 : i32
      %dma_wait3A_353 = arith.constant 0 : i32
      %dma_wait3A_354 = arith.constant 0 : i32
      %dma_wait3A_355 = arith.constant 0 : i32
      %dma_wait3A_356 = tpu.memref_slice %arg6[%dma_wait3A_352, %dma_wait3A_354, %dma_wait3A_355] : memref<4x32x128xf32, #tpu.memory_space<vmem>> -> memref<1x32x128xf32, #tpu.memory_space<vmem>>
      %dma_wait3A_357 = tpu.memref_squeeze %dma_wait3A_356 : memref<1x32x128xf32, #tpu.memory_space<vmem>> -> memref<32x128xf32, #tpu.memory_space<vmem>>
      %dma_wait3A_358 = arith.constant 0 : i32
      %dma_wait3A_359 = arith.constant 0 : i32
      %dma_wait3A_360 = tpu.memref_slice %dma_wait3A_357[%dma_wait3A_358, %dma_wait3A_359] : memref<32x128xf32, #tpu.memory_space<vmem>> -> memref<31x128xf32, #tpu.memory_space<vmem>>
      %dma_wait3A_361 = arith.constant 0 : i32
      %dma_wait3A_362 = tpu.memref_slice %arg5[%dma_wait3A_351, %dma_wait3A_361] : memref<128x124xi32, #tpu.memory_space<vmem>> -> memref<1x31xi32, #tpu.memory_space<vmem>>
      %dma_wait3A_363 = tpu.memref_squeeze %dma_wait3A_362 : memref<1x31xi32, #tpu.memory_space<vmem>> -> memref<31xi32, #tpu.memory_space<vmem>>
      %dma_wait3A_364 = arith.constant 0 : i32
      %dma_wait3A_365 = arith.constant 0 : i32
      %dma_wait3A_366 = tpu.memref_slice %arg10[%dma_wait3A_364, %dma_wait3A_365] : memref<837x128xf32, #tpu.memory_space<vmem_shared>> -> memref<837x128xf32, #tpu.memory_space<vmem_shared>>
      %dma_wait3A_367 = tpu.memref_slice %arg11[%dma_wait3A_353] : memref<4x!tpu.dma_semaphore, #tpu.memory_space<semaphore_mem>> -> memref<1x!tpu.dma_semaphore, #tpu.memory_space<semaphore_mem>>
      %dma_wait3A_368 = tpu.memref_squeeze %dma_wait3A_367 : memref<1x!tpu.dma_semaphore, #tpu.memory_space<semaphore_mem>> -> memref<!tpu.dma_semaphore, #tpu.memory_space<semaphore_mem>>
      tpu.wait_indirect_dma semaphore(%dma_wait3A_368 : memref<!tpu.dma_semaphore, #tpu.memory_space<semaphore_mem>>) src(%dma_wait3A_366 : memref<837x128xf32, #tpu.memory_space<vmem_shared>>) dst(%dma_wait3A_360 : memref<31x128xf32, #tpu.memory_space<vmem>>)
      %dma_wait3A_369 = arith.constant 0 : i32
      %dma_wait3A_370 = arith.constant 1 : i32
      %dma_wait3A_371 = arith.constant 0 : i32
      %dma_wait3A_372 = arith.constant 0 : i32
      %dma_wait3A_373 = arith.constant 0 : i32
      %dma_wait3A_374 = tpu.memref_slice %arg6[%dma_wait3A_370, %dma_wait3A_372, %dma_wait3A_373] : memref<4x32x128xf32, #tpu.memory_space<vmem>> -> memref<1x32x128xf32, #tpu.memory_space<vmem>>
      %dma_wait3A_375 = tpu.memref_squeeze %dma_wait3A_374 : memref<1x32x128xf32, #tpu.memory_space<vmem>> -> memref<32x128xf32, #tpu.memory_space<vmem>>
      %dma_wait3A_376 = arith.constant 0 : i32
      %dma_wait3A_377 = arith.constant 0 : i32
      %dma_wait3A_378 = tpu.memref_slice %dma_wait3A_375[%dma_wait3A_376, %dma_wait3A_377] : memref<32x128xf32, #tpu.memory_space<vmem>> -> memref<31x128xf32, #tpu.memory_space<vmem>>
      %dma_wait3A_379 = arith.constant 0 : i32
      %dma_wait3A_380 = tpu.memref_slice %arg5[%dma_wait3A_369, %dma_wait3A_379] : memref<128x124xi32, #tpu.memory_space<vmem>> -> memref<1x31xi32, #tpu.memory_space<vmem>>
      %dma_wait3A_381 = tpu.memref_squeeze %dma_wait3A_380 : memref<1x31xi32, #tpu.memory_space<vmem>> -> memref<31xi32, #tpu.memory_space<vmem>>
      %dma_wait3A_382 = arith.constant 0 : i32
      %dma_wait3A_383 = arith.constant 0 : i32
      %dma_wait3A_384 = tpu.memref_slice %arg10[%dma_wait3A_382, %dma_wait3A_383] : memref<837x128xf32, #tpu.memory_space<vmem_shared>> -> memref<837x128xf32, #tpu.memory_space<vmem_shared>>
      %dma_wait3A_385 = tpu.memref_slice %arg11[%dma_wait3A_371] : memref<4x!tpu.dma_semaphore, #tpu.memory_space<semaphore_mem>> -> memref<1x!tpu.dma_semaphore, #tpu.memory_space<semaphore_mem>>
      %dma_wait3A_386 = tpu.memref_squeeze %dma_wait3A_385 : memref<1x!tpu.dma_semaphore, #tpu.memory_space<semaphore_mem>> -> memref<!tpu.dma_semaphore, #tpu.memory_space<semaphore_mem>>
      tpu.wait_indirect_dma semaphore(%dma_wait3A_386 : memref<!tpu.dma_semaphore, #tpu.memory_space<semaphore_mem>>) src(%dma_wait3A_384 : memref<837x128xf32, #tpu.memory_space<vmem_shared>>) dst(%dma_wait3A_378 : memref<31x128xf32, #tpu.memory_space<vmem>>)
      %dma_wait3A_387 = arith.constant 0 : i32
      %dma_wait3A_388 = arith.constant 2 : i32
      %dma_wait3A_389 = arith.constant 0 : i32
      %dma_wait3A_390 = arith.constant 0 : i32
      %dma_wait3A_391 = arith.constant 0 : i32
      %dma_wait3A_392 = tpu.memref_slice %arg6[%dma_wait3A_388, %dma_wait3A_390, %dma_wait3A_391] : memref<4x32x128xf32, #tpu.memory_space<vmem>> -> memref<1x32x128xf32, #tpu.memory_space<vmem>>
      %dma_wait3A_393 = tpu.memref_squeeze %dma_wait3A_392 : memref<1x32x128xf32, #tpu.memory_space<vmem>> -> memref<32x128xf32, #tpu.memory_space<vmem>>
      %dma_wait3A_394 = arith.constant 0 : i32
      %dma_wait3A_395 = arith.constant 0 : i32
      %dma_wait3A_396 = tpu.memref_slice %dma_wait3A_393[%dma_wait3A_394, %dma_wait3A_395] : memref<32x128xf32, #tpu.memory_space<vmem>> -> memref<31x128xf32, #tpu.memory_space<vmem>>
      %dma_wait3A_397 = arith.constant 0 : i32
      %dma_wait3A_398 = tpu.memref_slice %arg5[%dma_wait3A_387, %dma_wait3A_397] : memref<128x124xi32, #tpu.memory_space<vmem>> -> memref<1x31xi32, #tpu.memory_space<vmem>>
      %dma_wait3A_399 = tpu.memref_squeeze %dma_wait3A_398 : memref<1x31xi32, #tpu.memory_space<vmem>> -> memref<31xi32, #tpu.memory_space<vmem>>
      %dma_wait3A_400 = arith.constant 0 : i32
      %dma_wait3A_401 = arith.constant 0 : i32
      %dma_wait3A_402 = tpu.memref_slice %arg10[%dma_wait3A_400, %dma_wait3A_401] : memref<837x128xf32, #tpu.memory_space<vmem_shared>> -> memref<837x128xf32, #tpu.memory_space<vmem_shared>>
      %dma_wait3A_403 = tpu.memref_slice %arg11[%dma_wait3A_389] : memref<4x!tpu.dma_semaphore, #tpu.memory_space<semaphore_mem>> -> memref<1x!tpu.dma_semaphore, #tpu.memory_space<semaphore_mem>>
      %dma_wait3A_404 = tpu.memref_squeeze %dma_wait3A_403 : memref<1x!tpu.dma_semaphore, #tpu.memory_space<semaphore_mem>> -> memref<!tpu.dma_semaphore, #tpu.memory_space<semaphore_mem>>
      tpu.wait_indirect_dma semaphore(%dma_wait3A_404 : memref<!tpu.dma_semaphore, #tpu.memory_space<semaphore_mem>>) src(%dma_wait3A_402 : memref<837x128xf32, #tpu.memory_space<vmem_shared>>) dst(%dma_wait3A_396 : memref<31x128xf32, #tpu.memory_space<vmem>>)
      %dma_wait3A_405 = arith.constant 0 : i32
      %dma_wait3A_406 = arith.constant 3 : i32
      %dma_wait3A_407 = arith.constant 0 : i32
      %dma_wait3A_408 = arith.constant 0 : i32
      %dma_wait3A_409 = arith.constant 0 : i32
      %dma_wait3A_410 = tpu.memref_slice %arg6[%dma_wait3A_406, %dma_wait3A_408, %dma_wait3A_409] : memref<4x32x128xf32, #tpu.memory_space<vmem>> -> memref<1x32x128xf32, #tpu.memory_space<vmem>>
      %dma_wait3A_411 = tpu.memref_squeeze %dma_wait3A_410 : memref<1x32x128xf32, #tpu.memory_space<vmem>> -> memref<32x128xf32, #tpu.memory_space<vmem>>
      %dma_wait3A_412 = arith.constant 0 : i32
      %dma_wait3A_413 = arith.constant 0 : i32
      %dma_wait3A_414 = tpu.memref_slice %dma_wait3A_411[%dma_wait3A_412, %dma_wait3A_413] : memref<32x128xf32, #tpu.memory_space<vmem>> -> memref<31x128xf32, #tpu.memory_space<vmem>>
      %dma_wait3A_415 = arith.constant 0 : i32
      %dma_wait3A_416 = tpu.memref_slice %arg5[%dma_wait3A_405, %dma_wait3A_415] : memref<128x124xi32, #tpu.memory_space<vmem>> -> memref<1x31xi32, #tpu.memory_space<vmem>>
      %dma_wait3A_417 = tpu.memref_squeeze %dma_wait3A_416 : memref<1x31xi32, #tpu.memory_space<vmem>> -> memref<31xi32, #tpu.memory_space<vmem>>
      %dma_wait3A_418 = arith.constant 0 : i32
      %dma_wait3A_419 = arith.constant 0 : i32
      %dma_wait3A_420 = tpu.memref_slice %arg10[%dma_wait3A_418, %dma_wait3A_419] : memref<837x128xf32, #tpu.memory_space<vmem_shared>> -> memref<837x128xf32, #tpu.memory_space<vmem_shared>>
      %dma_wait3A_421 = tpu.memref_slice %arg11[%dma_wait3A_407] : memref<4x!tpu.dma_semaphore, #tpu.memory_space<semaphore_mem>> -> memref<1x!tpu.dma_semaphore, #tpu.memory_space<semaphore_mem>>
      %dma_wait3A_422 = tpu.memref_squeeze %dma_wait3A_421 : memref<1x!tpu.dma_semaphore, #tpu.memory_space<semaphore_mem>> -> memref<!tpu.dma_semaphore, #tpu.memory_space<semaphore_mem>>
      tpu.wait_indirect_dma semaphore(%dma_wait3A_422 : memref<!tpu.dma_semaphore, #tpu.memory_space<semaphore_mem>>) src(%dma_wait3A_420 : memref<837x128xf32, #tpu.memory_space<vmem_shared>>) dst(%dma_wait3A_414 : memref<31x128xf32, #tpu.memory_space<vmem>>)
      %sub3A_423 = arith.constant 1 : i32
      %sub3A_424 = arith.subi %add3A_269, %sub3A_423 : i32
      %mul3A_425 = arith.constant 4 : i32
      %mul3A_426 = arith.muli %add3A, %mul3A_425 : i32
      %add3A_427 = arith.addi %sub3A_424, %mul3A_426 : i32
      %ge3A_428 = arith.constant 128 : i32
      %ge3A_429 = arith.cmpi sge, %add3A_427, %ge3A_428 : i32
      %sub3A_430 = arith.constant 128 : i32
      %sub3A_431 = arith.subi %add3A_427, %sub3A_430 : i32
      %select_n3A_432 = arith.select %ge3A_429, %sub3A_431, %add3A_427 : i32
      %mul3A_433 = arith.constant 4 : i32
      %mul3A_434 = arith.muli %select_n3A_432, %mul3A_433 : i32
      %add3A_435 = arith.addi %mul3A_2, %mul3A_434 : i32
      %dma_start3A_436 = arith.constant 0 : i32
      %dma_start3A_437 = arith.constant 0 : i32
      %dma_start3A_438 = arith.constant 0 : i32
      %dma_start3A_439 = arith.constant 0 : i32
      %dma_start3A_440 = tpu.memref_slice %arg6[%dma_start3A_437, %dma_start3A_438, %dma_start3A_439] : memref<4x32x128xf32, #tpu.memory_space<vmem>> -> memref<4x31x128xf32, #tpu.memory_space<vmem>>
      %dma_start3A_441 = arith.constant 0 : i32
      %dma_start3A_442 = arith.constant 0 : i32
      %dma_start3A_443 = tpu.memref_slice %arg4[%add3A_435, %dma_start3A_441, %dma_start3A_442] : memref<16384x31x128xf32, #tpu.memory_space<hbm>> -> memref<4x31x128xf32, #tpu.memory_space<hbm>>
      %dma_start3A_444 = tpu.memref_slice %arg12[%dma_start3A_436] : memref<4x!tpu.dma_semaphore, #tpu.memory_space<semaphore_mem>> -> memref<1x!tpu.dma_semaphore, #tpu.memory_space<semaphore_mem>>
      %dma_start3A_445 = tpu.memref_squeeze %dma_start3A_444 : memref<1x!tpu.dma_semaphore, #tpu.memory_space<semaphore_mem>> -> memref<!tpu.dma_semaphore, #tpu.memory_space<semaphore_mem>>
      %dma_start3A_446 = arith.constant 0 : i32
      %dma_start3A_447 = arith.constant 0 : i32
      %dma_start3A_448 = tpu.memref_slice %arg4[%add3A_435, %dma_start3A_446, %dma_start3A_447] : memref<16384x31x128xf32, #tpu.memory_space<hbm>> -> memref<4x31x128xf32, #tpu.memory_space<hbm>>
      %dma_start3A_449 = arith.constant 0 : i32
      %dma_start3A_450 = arith.constant 0 : i32
      %dma_start3A_451 = arith.constant 0 : i32
      %dma_start3A_452 = tpu.memref_slice %arg6[%dma_start3A_449, %dma_start3A_450, %dma_start3A_451] : memref<4x32x128xf32, #tpu.memory_space<vmem>> -> memref<4x31x128xf32, #tpu.memory_space<vmem>>
      tpu.enqueue_dma source(%dma_start3A_452 : memref<4x31x128xf32, #tpu.memory_space<vmem>>) target(%dma_start3A_448 : memref<4x31x128xf32, #tpu.memory_space<hbm>>) target_semaphore(%dma_start3A_445 : memref<!tpu.dma_semaphore, #tpu.memory_space<semaphore_mem>>)
      %mul3A_453 = arith.constant 4 : i32
      %mul3A_454 = arith.muli %scan3A_175, %mul3A_453 : i32
      %add3A_455 = arith.constant 2 : i32
      %add3A_456 = arith.addi %mul3A_454, %add3A_455 : i32
      %gt3A_457 = arith.constant 0 : i32
      %gt3A_458 = arith.cmpi sgt, %scan3A_175, %gt3A_457 : i32
      %convert_element_type3A_459 = arith.extui %gt3A_458 : i1 to i32
      %cond3A_460 = arith.constant 0 : i32
      %cond3A_461 = arith.cmpi ne, %convert_element_type3A_459, %cond3A_460 : i32
      scf.if %cond3A_461 {
        %dma_wait3A_828 = arith.constant 2 : i32
        %dma_wait3A_829 = arith.constant 0 : i32
        %dma_wait3A_830 = arith.constant 0 : i32
        %dma_wait3A_831 = arith.constant 0 : i32
        %dma_wait3A_832 = tpu.memref_slice %arg8[%dma_wait3A_829, %dma_wait3A_830, %dma_wait3A_831] : memref<4x32x128xf32, #tpu.memory_space<vmem>> -> memref<4x31x128xf32, #tpu.memory_space<vmem>>
        %dma_wait3A_833 = arith.constant 0 : i32
        %dma_wait3A_834 = arith.constant 0 : i32
        %dma_wait3A_835 = tpu.memref_slice %arg4[%mul3A_2, %dma_wait3A_833, %dma_wait3A_834] : memref<16384x31x128xf32, #tpu.memory_space<hbm>> -> memref<4x31x128xf32, #tpu.memory_space<hbm>>
        %dma_wait3A_836 = tpu.memref_slice %arg12[%dma_wait3A_828] : memref<4x!tpu.dma_semaphore, #tpu.memory_space<semaphore_mem>> -> memref<1x!tpu.dma_semaphore, #tpu.memory_space<semaphore_mem>>
        %dma_wait3A_837 = tpu.memref_squeeze %dma_wait3A_836 : memref<1x!tpu.dma_semaphore, #tpu.memory_space<semaphore_mem>> -> memref<!tpu.dma_semaphore, #tpu.memory_space<semaphore_mem>>
        %dma_wait3A_838 = arith.constant 0 : i32
        %dma_wait3A_839 = arith.constant 0 : i32
        %dma_wait3A_840 = tpu.memref_slice %arg4[%mul3A_2, %dma_wait3A_838, %dma_wait3A_839] : memref<16384x31x128xf32, #tpu.memory_space<hbm>> -> memref<4x31x128xf32, #tpu.memory_space<hbm>>
        %dma_wait3A_841 = arith.constant 0 : i32
        %dma_wait3A_842 = arith.constant 0 : i32
        %dma_wait3A_843 = arith.constant 0 : i32
        %dma_wait3A_844 = tpu.memref_slice %arg8[%dma_wait3A_841, %dma_wait3A_842, %dma_wait3A_843] : memref<4x32x128xf32, #tpu.memory_space<vmem>> -> memref<4x31x128xf32, #tpu.memory_space<vmem>>
        tpu.wait_dma2 semaphore(%dma_wait3A_837 : memref<!tpu.dma_semaphore, #tpu.memory_space<semaphore_mem>>) src(%dma_wait3A_844 : memref<4x31x128xf32, #tpu.memory_space<vmem>>) dst(%dma_wait3A_840 : memref<4x31x128xf32, #tpu.memory_space<hbm>>)
      } else {
      }
      %mul3A_462 = arith.constant 4 : i32
      %mul3A_463 = arith.muli %add3A, %mul3A_462 : i32
      %add3A_464 = arith.addi %add3A_456, %mul3A_463 : i32
      %ge3A_465 = arith.constant 128 : i32
      %ge3A_466 = arith.cmpi sge, %add3A_464, %ge3A_465 : i32
      %sub3A_467 = arith.constant 128 : i32
      %sub3A_468 = arith.subi %add3A_464, %sub3A_467 : i32
      %select_n3A_469 = arith.select %ge3A_466, %sub3A_468, %add3A_464 : i32
      %dma_start3A_470 = arith.constant 0 : i32
      %dma_start3A_471 = arith.constant 2 : i32
      %dma_start3A_472 = arith.constant 0 : i32
      %dma_start3A_473 = arith.constant 0 : i32
      %dma_start3A_474 = tpu.memref_slice %arg8[%dma_start3A_470, %dma_start3A_472, %dma_start3A_473] : memref<4x32x128xf32, #tpu.memory_space<vmem>> -> memref<1x32x128xf32, #tpu.memory_space<vmem>>
      %dma_start3A_475 = tpu.memref_squeeze %dma_start3A_474 : memref<1x32x128xf32, #tpu.memory_space<vmem>> -> memref<32x128xf32, #tpu.memory_space<vmem>>
      %dma_start3A_476 = arith.constant 0 : i32
      %dma_start3A_477 = arith.constant 0 : i32
      %dma_start3A_478 = tpu.memref_slice %dma_start3A_475[%dma_start3A_476, %dma_start3A_477] : memref<32x128xf32, #tpu.memory_space<vmem>> -> memref<31x128xf32, #tpu.memory_space<vmem>>
      %dma_start3A_479 = arith.constant 0 : i32
      %dma_start3A_480 = tpu.memref_slice %arg5[%select_n3A_469, %dma_start3A_479] : memref<128x124xi32, #tpu.memory_space<vmem>> -> memref<1x31xi32, #tpu.memory_space<vmem>>
      %dma_start3A_481 = tpu.memref_squeeze %dma_start3A_480 : memref<1x31xi32, #tpu.memory_space<vmem>> -> memref<31xi32, #tpu.memory_space<vmem>>
      %dma_start3A_482 = arith.constant 0 : i32
      %dma_start3A_483 = arith.constant 0 : i32
      %dma_start3A_484 = tpu.memref_slice %arg10[%dma_start3A_482, %dma_start3A_483] : memref<837x128xf32, #tpu.memory_space<vmem_shared>> -> memref<837x128xf32, #tpu.memory_space<vmem_shared>>
      %dma_start3A_485 = tpu.memref_slice %arg11[%dma_start3A_471] : memref<4x!tpu.dma_semaphore, #tpu.memory_space<semaphore_mem>> -> memref<1x!tpu.dma_semaphore, #tpu.memory_space<semaphore_mem>>
      %dma_start3A_486 = tpu.memref_squeeze %dma_start3A_485 : memref<1x!tpu.dma_semaphore, #tpu.memory_space<semaphore_mem>> -> memref<!tpu.dma_semaphore, #tpu.memory_space<semaphore_mem>>
      tpu.enqueue_indirect_dma source(%dma_start3A_484 : memref<837x128xf32, #tpu.memory_space<vmem_shared>>) target(%dma_start3A_478 : memref<31x128xf32, #tpu.memory_space<vmem>>) offsets(%dma_start3A_481 : memref<31xi32, #tpu.memory_space<vmem>>) semaphore(%dma_start3A_486 : memref<!tpu.dma_semaphore, #tpu.memory_space<semaphore_mem>>)
      %dma_start3A_487 = arith.constant 1 : i32
      %dma_start3A_488 = arith.constant 2 : i32
      %dma_start3A_489 = arith.constant 0 : i32
      %dma_start3A_490 = arith.constant 0 : i32
      %dma_start3A_491 = tpu.memref_slice %arg8[%dma_start3A_487, %dma_start3A_489, %dma_start3A_490] : memref<4x32x128xf32, #tpu.memory_space<vmem>> -> memref<1x32x128xf32, #tpu.memory_space<vmem>>
      %dma_start3A_492 = tpu.memref_squeeze %dma_start3A_491 : memref<1x32x128xf32, #tpu.memory_space<vmem>> -> memref<32x128xf32, #tpu.memory_space<vmem>>
      %dma_start3A_493 = arith.constant 0 : i32
      %dma_start3A_494 = arith.constant 0 : i32
      %dma_start3A_495 = tpu.memref_slice %dma_start3A_492[%dma_start3A_493, %dma_start3A_494] : memref<32x128xf32, #tpu.memory_space<vmem>> -> memref<31x128xf32, #tpu.memory_space<vmem>>
      %dma_start3A_496 = arith.constant 31 : i32
      %dma_start3A_497 = tpu.memref_slice %arg5[%select_n3A_469, %dma_start3A_496] : memref<128x124xi32, #tpu.memory_space<vmem>> -> memref<1x31xi32, #tpu.memory_space<vmem>>
      %dma_start3A_498 = tpu.memref_squeeze %dma_start3A_497 : memref<1x31xi32, #tpu.memory_space<vmem>> -> memref<31xi32, #tpu.memory_space<vmem>>
      %dma_start3A_499 = arith.constant 0 : i32
      %dma_start3A_500 = arith.constant 0 : i32
      %dma_start3A_501 = tpu.memref_slice %arg10[%dma_start3A_499, %dma_start3A_500] : memref<837x128xf32, #tpu.memory_space<vmem_shared>> -> memref<837x128xf32, #tpu.memory_space<vmem_shared>>
      %dma_start3A_502 = tpu.memref_slice %arg11[%dma_start3A_488] : memref<4x!tpu.dma_semaphore, #tpu.memory_space<semaphore_mem>> -> memref<1x!tpu.dma_semaphore, #tpu.memory_space<semaphore_mem>>
      %dma_start3A_503 = tpu.memref_squeeze %dma_start3A_502 : memref<1x!tpu.dma_semaphore, #tpu.memory_space<semaphore_mem>> -> memref<!tpu.dma_semaphore, #tpu.memory_space<semaphore_mem>>
      tpu.enqueue_indirect_dma source(%dma_start3A_501 : memref<837x128xf32, #tpu.memory_space<vmem_shared>>) target(%dma_start3A_495 : memref<31x128xf32, #tpu.memory_space<vmem>>) offsets(%dma_start3A_498 : memref<31xi32, #tpu.memory_space<vmem>>) semaphore(%dma_start3A_503 : memref<!tpu.dma_semaphore, #tpu.memory_space<semaphore_mem>>)
      %dma_start3A_504 = arith.constant 2 : i32
      %dma_start3A_505 = arith.constant 2 : i32
      %dma_start3A_506 = arith.constant 0 : i32
      %dma_start3A_507 = arith.constant 0 : i32
      %dma_start3A_508 = tpu.memref_slice %arg8[%dma_start3A_504, %dma_start3A_506, %dma_start3A_507] : memref<4x32x128xf32, #tpu.memory_space<vmem>> -> memref<1x32x128xf32, #tpu.memory_space<vmem>>
      %dma_start3A_509 = tpu.memref_squeeze %dma_start3A_508 : memref<1x32x128xf32, #tpu.memory_space<vmem>> -> memref<32x128xf32, #tpu.memory_space<vmem>>
      %dma_start3A_510 = arith.constant 0 : i32
      %dma_start3A_511 = arith.constant 0 : i32
      %dma_start3A_512 = tpu.memref_slice %dma_start3A_509[%dma_start3A_510, %dma_start3A_511] : memref<32x128xf32, #tpu.memory_space<vmem>> -> memref<31x128xf32, #tpu.memory_space<vmem>>
      %dma_start3A_513 = arith.constant 62 : i32
      %dma_start3A_514 = tpu.memref_slice %arg5[%select_n3A_469, %dma_start3A_513] : memref<128x124xi32, #tpu.memory_space<vmem>> -> memref<1x31xi32, #tpu.memory_space<vmem>>
      %dma_start3A_515 = tpu.memref_squeeze %dma_start3A_514 : memref<1x31xi32, #tpu.memory_space<vmem>> -> memref<31xi32, #tpu.memory_space<vmem>>
      %dma_start3A_516 = arith.constant 0 : i32
      %dma_start3A_517 = arith.constant 0 : i32
      %dma_start3A_518 = tpu.memref_slice %arg10[%dma_start3A_516, %dma_start3A_517] : memref<837x128xf32, #tpu.memory_space<vmem_shared>> -> memref<837x128xf32, #tpu.memory_space<vmem_shared>>
      %dma_start3A_519 = tpu.memref_slice %arg11[%dma_start3A_505] : memref<4x!tpu.dma_semaphore, #tpu.memory_space<semaphore_mem>> -> memref<1x!tpu.dma_semaphore, #tpu.memory_space<semaphore_mem>>
      %dma_start3A_520 = tpu.memref_squeeze %dma_start3A_519 : memref<1x!tpu.dma_semaphore, #tpu.memory_space<semaphore_mem>> -> memref<!tpu.dma_semaphore, #tpu.memory_space<semaphore_mem>>
      tpu.enqueue_indirect_dma source(%dma_start3A_518 : memref<837x128xf32, #tpu.memory_space<vmem_shared>>) target(%dma_start3A_512 : memref<31x128xf32, #tpu.memory_space<vmem>>) offsets(%dma_start3A_515 : memref<31xi32, #tpu.memory_space<vmem>>) semaphore(%dma_start3A_520 : memref<!tpu.dma_semaphore, #tpu.memory_space<semaphore_mem>>)
      %dma_start3A_521 = arith.constant 3 : i32
      %dma_start3A_522 = arith.constant 2 : i32
      %dma_start3A_523 = arith.constant 0 : i32
      %dma_start3A_524 = arith.constant 0 : i32
      %dma_start3A_525 = tpu.memref_slice %arg8[%dma_start3A_521, %dma_start3A_523, %dma_start3A_524] : memref<4x32x128xf32, #tpu.memory_space<vmem>> -> memref<1x32x128xf32, #tpu.memory_space<vmem>>
      %dma_start3A_526 = tpu.memref_squeeze %dma_start3A_525 : memref<1x32x128xf32, #tpu.memory_space<vmem>> -> memref<32x128xf32, #tpu.memory_space<vmem>>
      %dma_start3A_527 = arith.constant 0 : i32
      %dma_start3A_528 = arith.constant 0 : i32
      %dma_start3A_529 = tpu.memref_slice %dma_start3A_526[%dma_start3A_527, %dma_start3A_528] : memref<32x128xf32, #tpu.memory_space<vmem>> -> memref<31x128xf32, #tpu.memory_space<vmem>>
      %dma_start3A_530 = arith.constant 93 : i32
      %dma_start3A_531 = tpu.memref_slice %arg5[%select_n3A_469, %dma_start3A_530] : memref<128x124xi32, #tpu.memory_space<vmem>> -> memref<1x31xi32, #tpu.memory_space<vmem>>
      %dma_start3A_532 = tpu.memref_squeeze %dma_start3A_531 : memref<1x31xi32, #tpu.memory_space<vmem>> -> memref<31xi32, #tpu.memory_space<vmem>>
      %dma_start3A_533 = arith.constant 0 : i32
      %dma_start3A_534 = arith.constant 0 : i32
      %dma_start3A_535 = tpu.memref_slice %arg10[%dma_start3A_533, %dma_start3A_534] : memref<837x128xf32, #tpu.memory_space<vmem_shared>> -> memref<837x128xf32, #tpu.memory_space<vmem_shared>>
      %dma_start3A_536 = tpu.memref_slice %arg11[%dma_start3A_522] : memref<4x!tpu.dma_semaphore, #tpu.memory_space<semaphore_mem>> -> memref<1x!tpu.dma_semaphore, #tpu.memory_space<semaphore_mem>>
      %dma_start3A_537 = tpu.memref_squeeze %dma_start3A_536 : memref<1x!tpu.dma_semaphore, #tpu.memory_space<semaphore_mem>> -> memref<!tpu.dma_semaphore, #tpu.memory_space<semaphore_mem>>
      tpu.enqueue_indirect_dma source(%dma_start3A_535 : memref<837x128xf32, #tpu.memory_space<vmem_shared>>) target(%dma_start3A_529 : memref<31x128xf32, #tpu.memory_space<vmem>>) offsets(%dma_start3A_532 : memref<31xi32, #tpu.memory_space<vmem>>) semaphore(%dma_start3A_537 : memref<!tpu.dma_semaphore, #tpu.memory_space<semaphore_mem>>)
      %dma_wait3A_538 = arith.constant 0 : i32
      %dma_wait3A_539 = arith.constant 0 : i32
      %dma_wait3A_540 = arith.constant 1 : i32
      %dma_wait3A_541 = arith.constant 0 : i32
      %dma_wait3A_542 = arith.constant 0 : i32
      %dma_wait3A_543 = tpu.memref_slice %arg7[%dma_wait3A_539, %dma_wait3A_541, %dma_wait3A_542] : memref<4x32x128xf32, #tpu.memory_space<vmem>> -> memref<1x32x128xf32, #tpu.memory_space<vmem>>
      %dma_wait3A_544 = tpu.memref_squeeze %dma_wait3A_543 : memref<1x32x128xf32, #tpu.memory_space<vmem>> -> memref<32x128xf32, #tpu.memory_space<vmem>>
      %dma_wait3A_545 = arith.constant 0 : i32
      %dma_wait3A_546 = arith.constant 0 : i32
      %dma_wait3A_547 = tpu.memref_slice %dma_wait3A_544[%dma_wait3A_545, %dma_wait3A_546] : memref<32x128xf32, #tpu.memory_space<vmem>> -> memref<31x128xf32, #tpu.memory_space<vmem>>
      %dma_wait3A_548 = arith.constant 0 : i32
      %dma_wait3A_549 = tpu.memref_slice %arg5[%dma_wait3A_538, %dma_wait3A_548] : memref<128x124xi32, #tpu.memory_space<vmem>> -> memref<1x31xi32, #tpu.memory_space<vmem>>
      %dma_wait3A_550 = tpu.memref_squeeze %dma_wait3A_549 : memref<1x31xi32, #tpu.memory_space<vmem>> -> memref<31xi32, #tpu.memory_space<vmem>>
      %dma_wait3A_551 = arith.constant 0 : i32
      %dma_wait3A_552 = arith.constant 0 : i32
      %dma_wait3A_553 = tpu.memref_slice %arg10[%dma_wait3A_551, %dma_wait3A_552] : memref<837x128xf32, #tpu.memory_space<vmem_shared>> -> memref<837x128xf32, #tpu.memory_space<vmem_shared>>
      %dma_wait3A_554 = tpu.memref_slice %arg11[%dma_wait3A_540] : memref<4x!tpu.dma_semaphore, #tpu.memory_space<semaphore_mem>> -> memref<1x!tpu.dma_semaphore, #tpu.memory_space<semaphore_mem>>
      %dma_wait3A_555 = tpu.memref_squeeze %dma_wait3A_554 : memref<1x!tpu.dma_semaphore, #tpu.memory_space<semaphore_mem>> -> memref<!tpu.dma_semaphore, #tpu.memory_space<semaphore_mem>>
      tpu.wait_indirect_dma semaphore(%dma_wait3A_555 : memref<!tpu.dma_semaphore, #tpu.memory_space<semaphore_mem>>) src(%dma_wait3A_553 : memref<837x128xf32, #tpu.memory_space<vmem_shared>>) dst(%dma_wait3A_547 : memref<31x128xf32, #tpu.memory_space<vmem>>)
      %dma_wait3A_556 = arith.constant 0 : i32
      %dma_wait3A_557 = arith.constant 1 : i32
      %dma_wait3A_558 = arith.constant 1 : i32
      %dma_wait3A_559 = arith.constant 0 : i32
      %dma_wait3A_560 = arith.constant 0 : i32
      %dma_wait3A_561 = tpu.memref_slice %arg7[%dma_wait3A_557, %dma_wait3A_559, %dma_wait3A_560] : memref<4x32x128xf32, #tpu.memory_space<vmem>> -> memref<1x32x128xf32, #tpu.memory_space<vmem>>
      %dma_wait3A_562 = tpu.memref_squeeze %dma_wait3A_561 : memref<1x32x128xf32, #tpu.memory_space<vmem>> -> memref<32x128xf32, #tpu.memory_space<vmem>>
      %dma_wait3A_563 = arith.constant 0 : i32
      %dma_wait3A_564 = arith.constant 0 : i32
      %dma_wait3A_565 = tpu.memref_slice %dma_wait3A_562[%dma_wait3A_563, %dma_wait3A_564] : memref<32x128xf32, #tpu.memory_space<vmem>> -> memref<31x128xf32, #tpu.memory_space<vmem>>
      %dma_wait3A_566 = arith.constant 0 : i32
      %dma_wait3A_567 = tpu.memref_slice %arg5[%dma_wait3A_556, %dma_wait3A_566] : memref<128x124xi32, #tpu.memory_space<vmem>> -> memref<1x31xi32, #tpu.memory_space<vmem>>
      %dma_wait3A_568 = tpu.memref_squeeze %dma_wait3A_567 : memref<1x31xi32, #tpu.memory_space<vmem>> -> memref<31xi32, #tpu.memory_space<vmem>>
      %dma_wait3A_569 = arith.constant 0 : i32
      %dma_wait3A_570 = arith.constant 0 : i32
      %dma_wait3A_571 = tpu.memref_slice %arg10[%dma_wait3A_569, %dma_wait3A_570] : memref<837x128xf32, #tpu.memory_space<vmem_shared>> -> memref<837x128xf32, #tpu.memory_space<vmem_shared>>
      %dma_wait3A_572 = tpu.memref_slice %arg11[%dma_wait3A_558] : memref<4x!tpu.dma_semaphore, #tpu.memory_space<semaphore_mem>> -> memref<1x!tpu.dma_semaphore, #tpu.memory_space<semaphore_mem>>
      %dma_wait3A_573 = tpu.memref_squeeze %dma_wait3A_572 : memref<1x!tpu.dma_semaphore, #tpu.memory_space<semaphore_mem>> -> memref<!tpu.dma_semaphore, #tpu.memory_space<semaphore_mem>>
      tpu.wait_indirect_dma semaphore(%dma_wait3A_573 : memref<!tpu.dma_semaphore, #tpu.memory_space<semaphore_mem>>) src(%dma_wait3A_571 : memref<837x128xf32, #tpu.memory_space<vmem_shared>>) dst(%dma_wait3A_565 : memref<31x128xf32, #tpu.memory_space<vmem>>)
      %dma_wait3A_574 = arith.constant 0 : i32
      %dma_wait3A_575 = arith.constant 2 : i32
      %dma_wait3A_576 = arith.constant 1 : i32
      %dma_wait3A_577 = arith.constant 0 : i32
      %dma_wait3A_578 = arith.constant 0 : i32
      %dma_wait3A_579 = tpu.memref_slice %arg7[%dma_wait3A_575, %dma_wait3A_577, %dma_wait3A_578] : memref<4x32x128xf32, #tpu.memory_space<vmem>> -> memref<1x32x128xf32, #tpu.memory_space<vmem>>
      %dma_wait3A_580 = tpu.memref_squeeze %dma_wait3A_579 : memref<1x32x128xf32, #tpu.memory_space<vmem>> -> memref<32x128xf32, #tpu.memory_space<vmem>>
      %dma_wait3A_581 = arith.constant 0 : i32
      %dma_wait3A_582 = arith.constant 0 : i32
      %dma_wait3A_583 = tpu.memref_slice %dma_wait3A_580[%dma_wait3A_581, %dma_wait3A_582] : memref<32x128xf32, #tpu.memory_space<vmem>> -> memref<31x128xf32, #tpu.memory_space<vmem>>
      %dma_wait3A_584 = arith.constant 0 : i32
      %dma_wait3A_585 = tpu.memref_slice %arg5[%dma_wait3A_574, %dma_wait3A_584] : memref<128x124xi32, #tpu.memory_space<vmem>> -> memref<1x31xi32, #tpu.memory_space<vmem>>
      %dma_wait3A_586 = tpu.memref_squeeze %dma_wait3A_585 : memref<1x31xi32, #tpu.memory_space<vmem>> -> memref<31xi32, #tpu.memory_space<vmem>>
      %dma_wait3A_587 = arith.constant 0 : i32
      %dma_wait3A_588 = arith.constant 0 : i32
      %dma_wait3A_589 = tpu.memref_slice %arg10[%dma_wait3A_587, %dma_wait3A_588] : memref<837x128xf32, #tpu.memory_space<vmem_shared>> -> memref<837x128xf32, #tpu.memory_space<vmem_shared>>
      %dma_wait3A_590 = tpu.memref_slice %arg11[%dma_wait3A_576] : memref<4x!tpu.dma_semaphore, #tpu.memory_space<semaphore_mem>> -> memref<1x!tpu.dma_semaphore, #tpu.memory_space<semaphore_mem>>
      %dma_wait3A_591 = tpu.memref_squeeze %dma_wait3A_590 : memref<1x!tpu.dma_semaphore, #tpu.memory_space<semaphore_mem>> -> memref<!tpu.dma_semaphore, #tpu.memory_space<semaphore_mem>>
      tpu.wait_indirect_dma semaphore(%dma_wait3A_591 : memref<!tpu.dma_semaphore, #tpu.memory_space<semaphore_mem>>) src(%dma_wait3A_589 : memref<837x128xf32, #tpu.memory_space<vmem_shared>>) dst(%dma_wait3A_583 : memref<31x128xf32, #tpu.memory_space<vmem>>)
      %dma_wait3A_592 = arith.constant 0 : i32
      %dma_wait3A_593 = arith.constant 3 : i32
      %dma_wait3A_594 = arith.constant 1 : i32
      %dma_wait3A_595 = arith.constant 0 : i32
      %dma_wait3A_596 = arith.constant 0 : i32
      %dma_wait3A_597 = tpu.memref_slice %arg7[%dma_wait3A_593, %dma_wait3A_595, %dma_wait3A_596] : memref<4x32x128xf32, #tpu.memory_space<vmem>> -> memref<1x32x128xf32, #tpu.memory_space<vmem>>
      %dma_wait3A_598 = tpu.memref_squeeze %dma_wait3A_597 : memref<1x32x128xf32, #tpu.memory_space<vmem>> -> memref<32x128xf32, #tpu.memory_space<vmem>>
      %dma_wait3A_599 = arith.constant 0 : i32
      %dma_wait3A_600 = arith.constant 0 : i32
      %dma_wait3A_601 = tpu.memref_slice %dma_wait3A_598[%dma_wait3A_599, %dma_wait3A_600] : memref<32x128xf32, #tpu.memory_space<vmem>> -> memref<31x128xf32, #tpu.memory_space<vmem>>
      %dma_wait3A_602 = arith.constant 0 : i32
      %dma_wait3A_603 = tpu.memref_slice %arg5[%dma_wait3A_592, %dma_wait3A_602] : memref<128x124xi32, #tpu.memory_space<vmem>> -> memref<1x31xi32, #tpu.memory_space<vmem>>
      %dma_wait3A_604 = tpu.memref_squeeze %dma_wait3A_603 : memref<1x31xi32, #tpu.memory_space<vmem>> -> memref<31xi32, #tpu.memory_space<vmem>>
      %dma_wait3A_605 = arith.constant 0 : i32
      %dma_wait3A_606 = arith.constant 0 : i32
      %dma_wait3A_607 = tpu.memref_slice %arg10[%dma_wait3A_605, %dma_wait3A_606] : memref<837x128xf32, #tpu.memory_space<vmem_shared>> -> memref<837x128xf32, #tpu.memory_space<vmem_shared>>
      %dma_wait3A_608 = tpu.memref_slice %arg11[%dma_wait3A_594] : memref<4x!tpu.dma_semaphore, #tpu.memory_space<semaphore_mem>> -> memref<1x!tpu.dma_semaphore, #tpu.memory_space<semaphore_mem>>
      %dma_wait3A_609 = tpu.memref_squeeze %dma_wait3A_608 : memref<1x!tpu.dma_semaphore, #tpu.memory_space<semaphore_mem>> -> memref<!tpu.dma_semaphore, #tpu.memory_space<semaphore_mem>>
      tpu.wait_indirect_dma semaphore(%dma_wait3A_609 : memref<!tpu.dma_semaphore, #tpu.memory_space<semaphore_mem>>) src(%dma_wait3A_607 : memref<837x128xf32, #tpu.memory_space<vmem_shared>>) dst(%dma_wait3A_601 : memref<31x128xf32, #tpu.memory_space<vmem>>)
      %sub3A_610 = arith.constant 1 : i32
      %sub3A_611 = arith.subi %add3A_456, %sub3A_610 : i32
      %mul3A_612 = arith.constant 4 : i32
      %mul3A_613 = arith.muli %add3A, %mul3A_612 : i32
      %add3A_614 = arith.addi %sub3A_611, %mul3A_613 : i32
      %ge3A_615 = arith.constant 128 : i32
      %ge3A_616 = arith.cmpi sge, %add3A_614, %ge3A_615 : i32
      %sub3A_617 = arith.constant 128 : i32
      %sub3A_618 = arith.subi %add3A_614, %sub3A_617 : i32
      %select_n3A_619 = arith.select %ge3A_616, %sub3A_618, %add3A_614 : i32
      %mul3A_620 = arith.constant 4 : i32
      %mul3A_621 = arith.muli %select_n3A_619, %mul3A_620 : i32
      %add3A_622 = arith.addi %mul3A_2, %mul3A_621 : i32
      %dma_start3A_623 = arith.constant 1 : i32
      %dma_start3A_624 = arith.constant 0 : i32
      %dma_start3A_625 = arith.constant 0 : i32
      %dma_start3A_626 = arith.constant 0 : i32
      %dma_start3A_627 = tpu.memref_slice %arg7[%dma_start3A_624, %dma_start3A_625, %dma_start3A_626] : memref<4x32x128xf32, #tpu.memory_space<vmem>> -> memref<4x31x128xf32, #tpu.memory_space<vmem>>
      %dma_start3A_628 = arith.constant 0 : i32
      %dma_start3A_629 = arith.constant 0 : i32
      %dma_start3A_630 = tpu.memref_slice %arg4[%add3A_622, %dma_start3A_628, %dma_start3A_629] : memref<16384x31x128xf32, #tpu.memory_space<hbm>> -> memref<4x31x128xf32, #tpu.memory_space<hbm>>
      %dma_start3A_631 = tpu.memref_slice %arg12[%dma_start3A_623] : memref<4x!tpu.dma_semaphore, #tpu.memory_space<semaphore_mem>> -> memref<1x!tpu.dma_semaphore, #tpu.memory_space<semaphore_mem>>
      %dma_start3A_632 = tpu.memref_squeeze %dma_start3A_631 : memref<1x!tpu.dma_semaphore, #tpu.memory_space<semaphore_mem>> -> memref<!tpu.dma_semaphore, #tpu.memory_space<semaphore_mem>>
      %dma_start3A_633 = arith.constant 0 : i32
      %dma_start3A_634 = arith.constant 0 : i32
      %dma_start3A_635 = tpu.memref_slice %arg4[%add3A_622, %dma_start3A_633, %dma_start3A_634] : memref<16384x31x128xf32, #tpu.memory_space<hbm>> -> memref<4x31x128xf32, #tpu.memory_space<hbm>>
      %dma_start3A_636 = arith.constant 0 : i32
      %dma_start3A_637 = arith.constant 0 : i32
      %dma_start3A_638 = arith.constant 0 : i32
      %dma_start3A_639 = tpu.memref_slice %arg7[%dma_start3A_636, %dma_start3A_637, %dma_start3A_638] : memref<4x32x128xf32, #tpu.memory_space<vmem>> -> memref<4x31x128xf32, #tpu.memory_space<vmem>>
      tpu.enqueue_dma source(%dma_start3A_639 : memref<4x31x128xf32, #tpu.memory_space<vmem>>) target(%dma_start3A_635 : memref<4x31x128xf32, #tpu.memory_space<hbm>>) target_semaphore(%dma_start3A_632 : memref<!tpu.dma_semaphore, #tpu.memory_space<semaphore_mem>>)
      %mul3A_640 = arith.constant 4 : i32
      %mul3A_641 = arith.muli %scan3A_175, %mul3A_640 : i32
      %add3A_642 = arith.constant 3 : i32
      %add3A_643 = arith.addi %mul3A_641, %add3A_642 : i32
      %gt3A_644 = arith.constant 0 : i32
      %gt3A_645 = arith.cmpi sgt, %scan3A_175, %gt3A_644 : i32
      %convert_element_type3A_646 = arith.extui %gt3A_645 : i1 to i32
      %cond3A_647 = arith.constant 0 : i32
      %cond3A_648 = arith.cmpi ne, %convert_element_type3A_646, %cond3A_647 : i32
      scf.if %cond3A_648 {
        %dma_wait3A_828 = arith.constant 3 : i32
        %dma_wait3A_829 = arith.constant 0 : i32
        %dma_wait3A_830 = arith.constant 0 : i32
        %dma_wait3A_831 = arith.constant 0 : i32
        %dma_wait3A_832 = tpu.memref_slice %arg9[%dma_wait3A_829, %dma_wait3A_830, %dma_wait3A_831] : memref<4x32x128xf32, #tpu.memory_space<vmem>> -> memref<4x31x128xf32, #tpu.memory_space<vmem>>
        %dma_wait3A_833 = arith.constant 0 : i32
        %dma_wait3A_834 = arith.constant 0 : i32
        %dma_wait3A_835 = tpu.memref_slice %arg4[%mul3A_2, %dma_wait3A_833, %dma_wait3A_834] : memref<16384x31x128xf32, #tpu.memory_space<hbm>> -> memref<4x31x128xf32, #tpu.memory_space<hbm>>
        %dma_wait3A_836 = tpu.memref_slice %arg12[%dma_wait3A_828] : memref<4x!tpu.dma_semaphore, #tpu.memory_space<semaphore_mem>> -> memref<1x!tpu.dma_semaphore, #tpu.memory_space<semaphore_mem>>
        %dma_wait3A_837 = tpu.memref_squeeze %dma_wait3A_836 : memref<1x!tpu.dma_semaphore, #tpu.memory_space<semaphore_mem>> -> memref<!tpu.dma_semaphore, #tpu.memory_space<semaphore_mem>>
        %dma_wait3A_838 = arith.constant 0 : i32
        %dma_wait3A_839 = arith.constant 0 : i32
        %dma_wait3A_840 = tpu.memref_slice %arg4[%mul3A_2, %dma_wait3A_838, %dma_wait3A_839] : memref<16384x31x128xf32, #tpu.memory_space<hbm>> -> memref<4x31x128xf32, #tpu.memory_space<hbm>>
        %dma_wait3A_841 = arith.constant 0 : i32
        %dma_wait3A_842 = arith.constant 0 : i32
        %dma_wait3A_843 = arith.constant 0 : i32
        %dma_wait3A_844 = tpu.memref_slice %arg9[%dma_wait3A_841, %dma_wait3A_842, %dma_wait3A_843] : memref<4x32x128xf32, #tpu.memory_space<vmem>> -> memref<4x31x128xf32, #tpu.memory_space<vmem>>
        tpu.wait_dma2 semaphore(%dma_wait3A_837 : memref<!tpu.dma_semaphore, #tpu.memory_space<semaphore_mem>>) src(%dma_wait3A_844 : memref<4x31x128xf32, #tpu.memory_space<vmem>>) dst(%dma_wait3A_840 : memref<4x31x128xf32, #tpu.memory_space<hbm>>)
      } else {
      }
      %mul3A_649 = arith.constant 4 : i32
      %mul3A_650 = arith.muli %add3A, %mul3A_649 : i32
      %add3A_651 = arith.addi %add3A_643, %mul3A_650 : i32
      %ge3A_652 = arith.constant 128 : i32
      %ge3A_653 = arith.cmpi sge, %add3A_651, %ge3A_652 : i32
      %sub3A_654 = arith.constant 128 : i32
      %sub3A_655 = arith.subi %add3A_651, %sub3A_654 : i32
      %select_n3A_656 = arith.select %ge3A_653, %sub3A_655, %add3A_651 : i32
      %dma_start3A_657 = arith.constant 0 : i32
      %dma_start3A_658 = arith.constant 3 : i32
      %dma_start3A_659 = arith.constant 0 : i32
      %dma_start3A_660 = arith.constant 0 : i32
      %dma_start3A_661 = tpu.memref_slice %arg9[%dma_start3A_657, %dma_start3A_659, %dma_start3A_660] : memref<4x32x128xf32, #tpu.memory_space<vmem>> -> memref<1x32x128xf32, #tpu.memory_space<vmem>>
      %dma_start3A_662 = tpu.memref_squeeze %dma_start3A_661 : memref<1x32x128xf32, #tpu.memory_space<vmem>> -> memref<32x128xf32, #tpu.memory_space<vmem>>
      %dma_start3A_663 = arith.constant 0 : i32
      %dma_start3A_664 = arith.constant 0 : i32
      %dma_start3A_665 = tpu.memref_slice %dma_start3A_662[%dma_start3A_663, %dma_start3A_664] : memref<32x128xf32, #tpu.memory_space<vmem>> -> memref<31x128xf32, #tpu.memory_space<vmem>>
      %dma_start3A_666 = arith.constant 0 : i32
      %dma_start3A_667 = tpu.memref_slice %arg5[%select_n3A_656, %dma_start3A_666] : memref<128x124xi32, #tpu.memory_space<vmem>> -> memref<1x31xi32, #tpu.memory_space<vmem>>
      %dma_start3A_668 = tpu.memref_squeeze %dma_start3A_667 : memref<1x31xi32, #tpu.memory_space<vmem>> -> memref<31xi32, #tpu.memory_space<vmem>>
      %dma_start3A_669 = arith.constant 0 : i32
      %dma_start3A_670 = arith.constant 0 : i32
      %dma_start3A_671 = tpu.memref_slice %arg10[%dma_start3A_669, %dma_start3A_670] : memref<837x128xf32, #tpu.memory_space<vmem_shared>> -> memref<837x128xf32, #tpu.memory_space<vmem_shared>>
      %dma_start3A_672 = tpu.memref_slice %arg11[%dma_start3A_658] : memref<4x!tpu.dma_semaphore, #tpu.memory_space<semaphore_mem>> -> memref<1x!tpu.dma_semaphore, #tpu.memory_space<semaphore_mem>>
      %dma_start3A_673 = tpu.memref_squeeze %dma_start3A_672 : memref<1x!tpu.dma_semaphore, #tpu.memory_space<semaphore_mem>> -> memref<!tpu.dma_semaphore, #tpu.memory_space<semaphore_mem>>
      tpu.enqueue_indirect_dma source(%dma_start3A_671 : memref<837x128xf32, #tpu.memory_space<vmem_shared>>) target(%dma_start3A_665 : memref<31x128xf32, #tpu.memory_space<vmem>>) offsets(%dma_start3A_668 : memref<31xi32, #tpu.memory_space<vmem>>) semaphore(%dma_start3A_673 : memref<!tpu.dma_semaphore, #tpu.memory_space<semaphore_mem>>)
      %dma_start3A_674 = arith.constant 1 : i32
      %dma_start3A_675 = arith.constant 3 : i32
      %dma_start3A_676 = arith.constant 0 : i32
      %dma_start3A_677 = arith.constant 0 : i32
      %dma_start3A_678 = tpu.memref_slice %arg9[%dma_start3A_674, %dma_start3A_676, %dma_start3A_677] : memref<4x32x128xf32, #tpu.memory_space<vmem>> -> memref<1x32x128xf32, #tpu.memory_space<vmem>>
      %dma_start3A_679 = tpu.memref_squeeze %dma_start3A_678 : memref<1x32x128xf32, #tpu.memory_space<vmem>> -> memref<32x128xf32, #tpu.memory_space<vmem>>
      %dma_start3A_680 = arith.constant 0 : i32
      %dma_start3A_681 = arith.constant 0 : i32
      %dma_start3A_682 = tpu.memref_slice %dma_start3A_679[%dma_start3A_680, %dma_start3A_681] : memref<32x128xf32, #tpu.memory_space<vmem>> -> memref<31x128xf32, #tpu.memory_space<vmem>>
      %dma_start3A_683 = arith.constant 31 : i32
      %dma_start3A_684 = tpu.memref_slice %arg5[%select_n3A_656, %dma_start3A_683] : memref<128x124xi32, #tpu.memory_space<vmem>> -> memref<1x31xi32, #tpu.memory_space<vmem>>
      %dma_start3A_685 = tpu.memref_squeeze %dma_start3A_684 : memref<1x31xi32, #tpu.memory_space<vmem>> -> memref<31xi32, #tpu.memory_space<vmem>>
      %dma_start3A_686 = arith.constant 0 : i32
      %dma_start3A_687 = arith.constant 0 : i32
      %dma_start3A_688 = tpu.memref_slice %arg10[%dma_start3A_686, %dma_start3A_687] : memref<837x128xf32, #tpu.memory_space<vmem_shared>> -> memref<837x128xf32, #tpu.memory_space<vmem_shared>>
      %dma_start3A_689 = tpu.memref_slice %arg11[%dma_start3A_675] : memref<4x!tpu.dma_semaphore, #tpu.memory_space<semaphore_mem>> -> memref<1x!tpu.dma_semaphore, #tpu.memory_space<semaphore_mem>>
      %dma_start3A_690 = tpu.memref_squeeze %dma_start3A_689 : memref<1x!tpu.dma_semaphore, #tpu.memory_space<semaphore_mem>> -> memref<!tpu.dma_semaphore, #tpu.memory_space<semaphore_mem>>
      tpu.enqueue_indirect_dma source(%dma_start3A_688 : memref<837x128xf32, #tpu.memory_space<vmem_shared>>) target(%dma_start3A_682 : memref<31x128xf32, #tpu.memory_space<vmem>>) offsets(%dma_start3A_685 : memref<31xi32, #tpu.memory_space<vmem>>) semaphore(%dma_start3A_690 : memref<!tpu.dma_semaphore, #tpu.memory_space<semaphore_mem>>)
      %dma_start3A_691 = arith.constant 2 : i32
      %dma_start3A_692 = arith.constant 3 : i32
      %dma_start3A_693 = arith.constant 0 : i32
      %dma_start3A_694 = arith.constant 0 : i32
      %dma_start3A_695 = tpu.memref_slice %arg9[%dma_start3A_691, %dma_start3A_693, %dma_start3A_694] : memref<4x32x128xf32, #tpu.memory_space<vmem>> -> memref<1x32x128xf32, #tpu.memory_space<vmem>>
      %dma_start3A_696 = tpu.memref_squeeze %dma_start3A_695 : memref<1x32x128xf32, #tpu.memory_space<vmem>> -> memref<32x128xf32, #tpu.memory_space<vmem>>
      %dma_start3A_697 = arith.constant 0 : i32
      %dma_start3A_698 = arith.constant 0 : i32
      %dma_start3A_699 = tpu.memref_slice %dma_start3A_696[%dma_start3A_697, %dma_start3A_698] : memref<32x128xf32, #tpu.memory_space<vmem>> -> memref<31x128xf32, #tpu.memory_space<vmem>>
      %dma_start3A_700 = arith.constant 62 : i32
      %dma_start3A_701 = tpu.memref_slice %arg5[%select_n3A_656, %dma_start3A_700] : memref<128x124xi32, #tpu.memory_space<vmem>> -> memref<1x31xi32, #tpu.memory_space<vmem>>
      %dma_start3A_702 = tpu.memref_squeeze %dma_start3A_701 : memref<1x31xi32, #tpu.memory_space<vmem>> -> memref<31xi32, #tpu.memory_space<vmem>>
      %dma_start3A_703 = arith.constant 0 : i32
      %dma_start3A_704 = arith.constant 0 : i32
      %dma_start3A_705 = tpu.memref_slice %arg10[%dma_start3A_703, %dma_start3A_704] : memref<837x128xf32, #tpu.memory_space<vmem_shared>> -> memref<837x128xf32, #tpu.memory_space<vmem_shared>>
      %dma_start3A_706 = tpu.memref_slice %arg11[%dma_start3A_692] : memref<4x!tpu.dma_semaphore, #tpu.memory_space<semaphore_mem>> -> memref<1x!tpu.dma_semaphore, #tpu.memory_space<semaphore_mem>>
      %dma_start3A_707 = tpu.memref_squeeze %dma_start3A_706 : memref<1x!tpu.dma_semaphore, #tpu.memory_space<semaphore_mem>> -> memref<!tpu.dma_semaphore, #tpu.memory_space<semaphore_mem>>
      tpu.enqueue_indirect_dma source(%dma_start3A_705 : memref<837x128xf32, #tpu.memory_space<vmem_shared>>) target(%dma_start3A_699 : memref<31x128xf32, #tpu.memory_space<vmem>>) offsets(%dma_start3A_702 : memref<31xi32, #tpu.memory_space<vmem>>) semaphore(%dma_start3A_707 : memref<!tpu.dma_semaphore, #tpu.memory_space<semaphore_mem>>)
      %dma_start3A_708 = arith.constant 3 : i32
      %dma_start3A_709 = arith.constant 3 : i32
      %dma_start3A_710 = arith.constant 0 : i32
      %dma_start3A_711 = arith.constant 0 : i32
      %dma_start3A_712 = tpu.memref_slice %arg9[%dma_start3A_708, %dma_start3A_710, %dma_start3A_711] : memref<4x32x128xf32, #tpu.memory_space<vmem>> -> memref<1x32x128xf32, #tpu.memory_space<vmem>>
      %dma_start3A_713 = tpu.memref_squeeze %dma_start3A_712 : memref<1x32x128xf32, #tpu.memory_space<vmem>> -> memref<32x128xf32, #tpu.memory_space<vmem>>
      %dma_start3A_714 = arith.constant 0 : i32
      %dma_start3A_715 = arith.constant 0 : i32
      %dma_start3A_716 = tpu.memref_slice %dma_start3A_713[%dma_start3A_714, %dma_start3A_715] : memref<32x128xf32, #tpu.memory_space<vmem>> -> memref<31x128xf32, #tpu.memory_space<vmem>>
      %dma_start3A_717 = arith.constant 93 : i32
      %dma_start3A_718 = tpu.memref_slice %arg5[%select_n3A_656, %dma_start3A_717] : memref<128x124xi32, #tpu.memory_space<vmem>> -> memref<1x31xi32, #tpu.memory_space<vmem>>
      %dma_start3A_719 = tpu.memref_squeeze %dma_start3A_718 : memref<1x31xi32, #tpu.memory_space<vmem>> -> memref<31xi32, #tpu.memory_space<vmem>>
      %dma_start3A_720 = arith.constant 0 : i32
      %dma_start3A_721 = arith.constant 0 : i32
      %dma_start3A_722 = tpu.memref_slice %arg10[%dma_start3A_720, %dma_start3A_721] : memref<837x128xf32, #tpu.memory_space<vmem_shared>> -> memref<837x128xf32, #tpu.memory_space<vmem_shared>>
      %dma_start3A_723 = tpu.memref_slice %arg11[%dma_start3A_709] : memref<4x!tpu.dma_semaphore, #tpu.memory_space<semaphore_mem>> -> memref<1x!tpu.dma_semaphore, #tpu.memory_space<semaphore_mem>>
      %dma_start3A_724 = tpu.memref_squeeze %dma_start3A_723 : memref<1x!tpu.dma_semaphore, #tpu.memory_space<semaphore_mem>> -> memref<!tpu.dma_semaphore, #tpu.memory_space<semaphore_mem>>
      tpu.enqueue_indirect_dma source(%dma_start3A_722 : memref<837x128xf32, #tpu.memory_space<vmem_shared>>) target(%dma_start3A_716 : memref<31x128xf32, #tpu.memory_space<vmem>>) offsets(%dma_start3A_719 : memref<31xi32, #tpu.memory_space<vmem>>) semaphore(%dma_start3A_724 : memref<!tpu.dma_semaphore, #tpu.memory_space<semaphore_mem>>)
      %dma_wait3A_725 = arith.constant 0 : i32
      %dma_wait3A_726 = arith.constant 0 : i32
      %dma_wait3A_727 = arith.constant 2 : i32
      %dma_wait3A_728 = arith.constant 0 : i32
      %dma_wait3A_729 = arith.constant 0 : i32
      %dma_wait3A_730 = tpu.memref_slice %arg8[%dma_wait3A_726, %dma_wait3A_728, %dma_wait3A_729] : memref<4x32x128xf32, #tpu.memory_space<vmem>> -> memref<1x32x128xf32, #tpu.memory_space<vmem>>
      %dma_wait3A_731 = tpu.memref_squeeze %dma_wait3A_730 : memref<1x32x128xf32, #tpu.memory_space<vmem>> -> memref<32x128xf32, #tpu.memory_space<vmem>>
      %dma_wait3A_732 = arith.constant 0 : i32
      %dma_wait3A_733 = arith.constant 0 : i32
      %dma_wait3A_734 = tpu.memref_slice %dma_wait3A_731[%dma_wait3A_732, %dma_wait3A_733] : memref<32x128xf32, #tpu.memory_space<vmem>> -> memref<31x128xf32, #tpu.memory_space<vmem>>
      %dma_wait3A_735 = arith.constant 0 : i32
      %dma_wait3A_736 = tpu.memref_slice %arg5[%dma_wait3A_725, %dma_wait3A_735] : memref<128x124xi32, #tpu.memory_space<vmem>> -> memref<1x31xi32, #tpu.memory_space<vmem>>
      %dma_wait3A_737 = tpu.memref_squeeze %dma_wait3A_736 : memref<1x31xi32, #tpu.memory_space<vmem>> -> memref<31xi32, #tpu.memory_space<vmem>>
      %dma_wait3A_738 = arith.constant 0 : i32
      %dma_wait3A_739 = arith.constant 0 : i32
      %dma_wait3A_740 = tpu.memref_slice %arg10[%dma_wait3A_738, %dma_wait3A_739] : memref<837x128xf32, #tpu.memory_space<vmem_shared>> -> memref<837x128xf32, #tpu.memory_space<vmem_shared>>
      %dma_wait3A_741 = tpu.memref_slice %arg11[%dma_wait3A_727] : memref<4x!tpu.dma_semaphore, #tpu.memory_space<semaphore_mem>> -> memref<1x!tpu.dma_semaphore, #tpu.memory_space<semaphore_mem>>
      %dma_wait3A_742 = tpu.memref_squeeze %dma_wait3A_741 : memref<1x!tpu.dma_semaphore, #tpu.memory_space<semaphore_mem>> -> memref<!tpu.dma_semaphore, #tpu.memory_space<semaphore_mem>>
      tpu.wait_indirect_dma semaphore(%dma_wait3A_742 : memref<!tpu.dma_semaphore, #tpu.memory_space<semaphore_mem>>) src(%dma_wait3A_740 : memref<837x128xf32, #tpu.memory_space<vmem_shared>>) dst(%dma_wait3A_734 : memref<31x128xf32, #tpu.memory_space<vmem>>)
      %dma_wait3A_743 = arith.constant 0 : i32
      %dma_wait3A_744 = arith.constant 1 : i32
      %dma_wait3A_745 = arith.constant 2 : i32
      %dma_wait3A_746 = arith.constant 0 : i32
      %dma_wait3A_747 = arith.constant 0 : i32
      %dma_wait3A_748 = tpu.memref_slice %arg8[%dma_wait3A_744, %dma_wait3A_746, %dma_wait3A_747] : memref<4x32x128xf32, #tpu.memory_space<vmem>> -> memref<1x32x128xf32, #tpu.memory_space<vmem>>
      %dma_wait3A_749 = tpu.memref_squeeze %dma_wait3A_748 : memref<1x32x128xf32, #tpu.memory_space<vmem>> -> memref<32x128xf32, #tpu.memory_space<vmem>>
      %dma_wait3A_750 = arith.constant 0 : i32
      %dma_wait3A_751 = arith.constant 0 : i32
      %dma_wait3A_752 = tpu.memref_slice %dma_wait3A_749[%dma_wait3A_750, %dma_wait3A_751] : memref<32x128xf32, #tpu.memory_space<vmem>> -> memref<31x128xf32, #tpu.memory_space<vmem>>
      %dma_wait3A_753 = arith.constant 0 : i32
      %dma_wait3A_754 = tpu.memref_slice %arg5[%dma_wait3A_743, %dma_wait3A_753] : memref<128x124xi32, #tpu.memory_space<vmem>> -> memref<1x31xi32, #tpu.memory_space<vmem>>
      %dma_wait3A_755 = tpu.memref_squeeze %dma_wait3A_754 : memref<1x31xi32, #tpu.memory_space<vmem>> -> memref<31xi32, #tpu.memory_space<vmem>>
      %dma_wait3A_756 = arith.constant 0 : i32
      %dma_wait3A_757 = arith.constant 0 : i32
      %dma_wait3A_758 = tpu.memref_slice %arg10[%dma_wait3A_756, %dma_wait3A_757] : memref<837x128xf32, #tpu.memory_space<vmem_shared>> -> memref<837x128xf32, #tpu.memory_space<vmem_shared>>
      %dma_wait3A_759 = tpu.memref_slice %arg11[%dma_wait3A_745] : memref<4x!tpu.dma_semaphore, #tpu.memory_space<semaphore_mem>> -> memref<1x!tpu.dma_semaphore, #tpu.memory_space<semaphore_mem>>
      %dma_wait3A_760 = tpu.memref_squeeze %dma_wait3A_759 : memref<1x!tpu.dma_semaphore, #tpu.memory_space<semaphore_mem>> -> memref<!tpu.dma_semaphore, #tpu.memory_space<semaphore_mem>>
      tpu.wait_indirect_dma semaphore(%dma_wait3A_760 : memref<!tpu.dma_semaphore, #tpu.memory_space<semaphore_mem>>) src(%dma_wait3A_758 : memref<837x128xf32, #tpu.memory_space<vmem_shared>>) dst(%dma_wait3A_752 : memref<31x128xf32, #tpu.memory_space<vmem>>)
      %dma_wait3A_761 = arith.constant 0 : i32
      %dma_wait3A_762 = arith.constant 2 : i32
      %dma_wait3A_763 = arith.constant 2 : i32
      %dma_wait3A_764 = arith.constant 0 : i32
      %dma_wait3A_765 = arith.constant 0 : i32
      %dma_wait3A_766 = tpu.memref_slice %arg8[%dma_wait3A_762, %dma_wait3A_764, %dma_wait3A_765] : memref<4x32x128xf32, #tpu.memory_space<vmem>> -> memref<1x32x128xf32, #tpu.memory_space<vmem>>
      %dma_wait3A_767 = tpu.memref_squeeze %dma_wait3A_766 : memref<1x32x128xf32, #tpu.memory_space<vmem>> -> memref<32x128xf32, #tpu.memory_space<vmem>>
      %dma_wait3A_768 = arith.constant 0 : i32
      %dma_wait3A_769 = arith.constant 0 : i32
      %dma_wait3A_770 = tpu.memref_slice %dma_wait3A_767[%dma_wait3A_768, %dma_wait3A_769] : memref<32x128xf32, #tpu.memory_space<vmem>> -> memref<31x128xf32, #tpu.memory_space<vmem>>
      %dma_wait3A_771 = arith.constant 0 : i32
      %dma_wait3A_772 = tpu.memref_slice %arg5[%dma_wait3A_761, %dma_wait3A_771] : memref<128x124xi32, #tpu.memory_space<vmem>> -> memref<1x31xi32, #tpu.memory_space<vmem>>
      %dma_wait3A_773 = tpu.memref_squeeze %dma_wait3A_772 : memref<1x31xi32, #tpu.memory_space<vmem>> -> memref<31xi32, #tpu.memory_space<vmem>>
      %dma_wait3A_774 = arith.constant 0 : i32
      %dma_wait3A_775 = arith.constant 0 : i32
      %dma_wait3A_776 = tpu.memref_slice %arg10[%dma_wait3A_774, %dma_wait3A_775] : memref<837x128xf32, #tpu.memory_space<vmem_shared>> -> memref<837x128xf32, #tpu.memory_space<vmem_shared>>
      %dma_wait3A_777 = tpu.memref_slice %arg11[%dma_wait3A_763] : memref<4x!tpu.dma_semaphore, #tpu.memory_space<semaphore_mem>> -> memref<1x!tpu.dma_semaphore, #tpu.memory_space<semaphore_mem>>
      %dma_wait3A_778 = tpu.memref_squeeze %dma_wait3A_777 : memref<1x!tpu.dma_semaphore, #tpu.memory_space<semaphore_mem>> -> memref<!tpu.dma_semaphore, #tpu.memory_space<semaphore_mem>>
      tpu.wait_indirect_dma semaphore(%dma_wait3A_778 : memref<!tpu.dma_semaphore, #tpu.memory_space<semaphore_mem>>) src(%dma_wait3A_776 : memref<837x128xf32, #tpu.memory_space<vmem_shared>>) dst(%dma_wait3A_770 : memref<31x128xf32, #tpu.memory_space<vmem>>)
      %dma_wait3A_779 = arith.constant 0 : i32
      %dma_wait3A_780 = arith.constant 3 : i32
      %dma_wait3A_781 = arith.constant 2 : i32
      %dma_wait3A_782 = arith.constant 0 : i32
      %dma_wait3A_783 = arith.constant 0 : i32
      %dma_wait3A_784 = tpu.memref_slice %arg8[%dma_wait3A_780, %dma_wait3A_782, %dma_wait3A_783] : memref<4x32x128xf32, #tpu.memory_space<vmem>> -> memref<1x32x128xf32, #tpu.memory_space<vmem>>
      %dma_wait3A_785 = tpu.memref_squeeze %dma_wait3A_784 : memref<1x32x128xf32, #tpu.memory_space<vmem>> -> memref<32x128xf32, #tpu.memory_space<vmem>>
      %dma_wait3A_786 = arith.constant 0 : i32
      %dma_wait3A_787 = arith.constant 0 : i32
      %dma_wait3A_788 = tpu.memref_slice %dma_wait3A_785[%dma_wait3A_786, %dma_wait3A_787] : memref<32x128xf32, #tpu.memory_space<vmem>> -> memref<31x128xf32, #tpu.memory_space<vmem>>
      %dma_wait3A_789 = arith.constant 0 : i32
      %dma_wait3A_790 = tpu.memref_slice %arg5[%dma_wait3A_779, %dma_wait3A_789] : memref<128x124xi32, #tpu.memory_space<vmem>> -> memref<1x31xi32, #tpu.memory_space<vmem>>
      %dma_wait3A_791 = tpu.memref_squeeze %dma_wait3A_790 : memref<1x31xi32, #tpu.memory_space<vmem>> -> memref<31xi32, #tpu.memory_space<vmem>>
      %dma_wait3A_792 = arith.constant 0 : i32
      %dma_wait3A_793 = arith.constant 0 : i32
      %dma_wait3A_794 = tpu.memref_slice %arg10[%dma_wait3A_792, %dma_wait3A_793] : memref<837x128xf32, #tpu.memory_space<vmem_shared>> -> memref<837x128xf32, #tpu.memory_space<vmem_shared>>
      %dma_wait3A_795 = tpu.memref_slice %arg11[%dma_wait3A_781] : memref<4x!tpu.dma_semaphore, #tpu.memory_space<semaphore_mem>> -> memref<1x!tpu.dma_semaphore, #tpu.memory_space<semaphore_mem>>
      %dma_wait3A_796 = tpu.memref_squeeze %dma_wait3A_795 : memref<1x!tpu.dma_semaphore, #tpu.memory_space<semaphore_mem>> -> memref<!tpu.dma_semaphore, #tpu.memory_space<semaphore_mem>>
      tpu.wait_indirect_dma semaphore(%dma_wait3A_796 : memref<!tpu.dma_semaphore, #tpu.memory_space<semaphore_mem>>) src(%dma_wait3A_794 : memref<837x128xf32, #tpu.memory_space<vmem_shared>>) dst(%dma_wait3A_788 : memref<31x128xf32, #tpu.memory_space<vmem>>)
      %sub3A_797 = arith.constant 1 : i32
      %sub3A_798 = arith.subi %add3A_643, %sub3A_797 : i32
      %mul3A_799 = arith.constant 4 : i32
      %mul3A_800 = arith.muli %add3A, %mul3A_799 : i32
      %add3A_801 = arith.addi %sub3A_798, %mul3A_800 : i32
      %ge3A_802 = arith.constant 128 : i32
      %ge3A_803 = arith.cmpi sge, %add3A_801, %ge3A_802 : i32
      %sub3A_804 = arith.constant 128 : i32
      %sub3A_805 = arith.subi %add3A_801, %sub3A_804 : i32
      %select_n3A_806 = arith.select %ge3A_803, %sub3A_805, %add3A_801 : i32
      %mul3A_807 = arith.constant 4 : i32
      %mul3A_808 = arith.muli %select_n3A_806, %mul3A_807 : i32
      %add3A_809 = arith.addi %mul3A_2, %mul3A_808 : i32
      %dma_start3A_810 = arith.constant 2 : i32
      %dma_start3A_811 = arith.constant 0 : i32
      %dma_start3A_812 = arith.constant 0 : i32
      %dma_start3A_813 = arith.constant 0 : i32
      %dma_start3A_814 = tpu.memref_slice %arg8[%dma_start3A_811, %dma_start3A_812, %dma_start3A_813] : memref<4x32x128xf32, #tpu.memory_space<vmem>> -> memref<4x31x128xf32, #tpu.memory_space<vmem>>
      %dma_start3A_815 = arith.constant 0 : i32
      %dma_start3A_816 = arith.constant 0 : i32
      %dma_start3A_817 = tpu.memref_slice %arg4[%add3A_809, %dma_start3A_815, %dma_start3A_816] : memref<16384x31x128xf32, #tpu.memory_space<hbm>> -> memref<4x31x128xf32, #tpu.memory_space<hbm>>
      %dma_start3A_818 = tpu.memref_slice %arg12[%dma_start3A_810] : memref<4x!tpu.dma_semaphore, #tpu.memory_space<semaphore_mem>> -> memref<1x!tpu.dma_semaphore, #tpu.memory_space<semaphore_mem>>
      %dma_start3A_819 = tpu.memref_squeeze %dma_start3A_818 : memref<1x!tpu.dma_semaphore, #tpu.memory_space<semaphore_mem>> -> memref<!tpu.dma_semaphore, #tpu.memory_space<semaphore_mem>>
      %dma_start3A_820 = arith.constant 0 : i32
      %dma_start3A_821 = arith.constant 0 : i32
      %dma_start3A_822 = tpu.memref_slice %arg4[%add3A_809, %dma_start3A_820, %dma_start3A_821] : memref<16384x31x128xf32, #tpu.memory_space<hbm>> -> memref<4x31x128xf32, #tpu.memory_space<hbm>>
      %dma_start3A_823 = arith.constant 0 : i32
      %dma_start3A_824 = arith.constant 0 : i32
      %dma_start3A_825 = arith.constant 0 : i32
      %dma_start3A_826 = tpu.memref_slice %arg8[%dma_start3A_823, %dma_start3A_824, %dma_start3A_825] : memref<4x32x128xf32, #tpu.memory_space<vmem>> -> memref<4x31x128xf32, #tpu.memory_space<vmem>>
      tpu.enqueue_dma source(%dma_start3A_826 : memref<4x31x128xf32, #tpu.memory_space<vmem>>) target(%dma_start3A_822 : memref<4x31x128xf32, #tpu.memory_space<hbm>>) target_semaphore(%dma_start3A_819 : memref<!tpu.dma_semaphore, #tpu.memory_space<semaphore_mem>>)
      %scan3A_827 = arith.constant 0 : i32
      scf.yield %scan3A_827 : i32
    }
    %scan3A_10 = arith.constant 32 : i32
    %dma_wait3A = arith.constant 0 : i32
    %dma_wait3A_11 = arith.constant 0 : i32
    %dma_wait3A_12 = arith.constant 3 : i32
    %dma_wait3A_13 = arith.constant 0 : i32
    %dma_wait3A_14 = arith.constant 0 : i32
    %dma_wait3A_15 = tpu.memref_slice %arg9[%dma_wait3A_11, %dma_wait3A_13, %dma_wait3A_14] : memref<4x32x128xf32, #tpu.memory_space<vmem>> -> memref<1x32x128xf32, #tpu.memory_space<vmem>>
    %dma_wait3A_16 = tpu.memref_squeeze %dma_wait3A_15 : memref<1x32x128xf32, #tpu.memory_space<vmem>> -> memref<32x128xf32, #tpu.memory_space<vmem>>
    %dma_wait3A_17 = arith.constant 0 : i32
    %dma_wait3A_18 = arith.constant 0 : i32
    %dma_wait3A_19 = tpu.memref_slice %dma_wait3A_16[%dma_wait3A_17, %dma_wait3A_18] : memref<32x128xf32, #tpu.memory_space<vmem>> -> memref<31x128xf32, #tpu.memory_space<vmem>>
    %dma_wait3A_20 = arith.constant 0 : i32
    %dma_wait3A_21 = tpu.memref_slice %arg5[%dma_wait3A, %dma_wait3A_20] : memref<128x124xi32, #tpu.memory_space<vmem>> -> memref<1x31xi32, #tpu.memory_space<vmem>>
    %dma_wait3A_22 = tpu.memref_squeeze %dma_wait3A_21 : memref<1x31xi32, #tpu.memory_space<vmem>> -> memref<31xi32, #tpu.memory_space<vmem>>
    %dma_wait3A_23 = arith.constant 0 : i32
    %dma_wait3A_24 = arith.constant 0 : i32
    %dma_wait3A_25 = tpu.memref_slice %arg10[%dma_wait3A_23, %dma_wait3A_24] : memref<837x128xf32, #tpu.memory_space<vmem_shared>> -> memref<837x128xf32, #tpu.memory_space<vmem_shared>>
    %dma_wait3A_26 = tpu.memref_slice %arg11[%dma_wait3A_12] : memref<4x!tpu.dma_semaphore, #tpu.memory_space<semaphore_mem>> -> memref<1x!tpu.dma_semaphore, #tpu.memory_space<semaphore_mem>>
    %dma_wait3A_27 = tpu.memref_squeeze %dma_wait3A_26 : memref<1x!tpu.dma_semaphore, #tpu.memory_space<semaphore_mem>> -> memref<!tpu.dma_semaphore, #tpu.memory_space<semaphore_mem>>
    tpu.wait_indirect_dma semaphore(%dma_wait3A_27 : memref<!tpu.dma_semaphore, #tpu.memory_space<semaphore_mem>>) src(%dma_wait3A_25 : memref<837x128xf32, #tpu.memory_space<vmem_shared>>) dst(%dma_wait3A_19 : memref<31x128xf32, #tpu.memory_space<vmem>>)
    %dma_wait3A_28 = arith.constant 0 : i32
    %dma_wait3A_29 = arith.constant 1 : i32
    %dma_wait3A_30 = arith.constant 3 : i32
    %dma_wait3A_31 = arith.constant 0 : i32
    %dma_wait3A_32 = arith.constant 0 : i32
    %dma_wait3A_33 = tpu.memref_slice %arg9[%dma_wait3A_29, %dma_wait3A_31, %dma_wait3A_32] : memref<4x32x128xf32, #tpu.memory_space<vmem>> -> memref<1x32x128xf32, #tpu.memory_space<vmem>>
    %dma_wait3A_34 = tpu.memref_squeeze %dma_wait3A_33 : memref<1x32x128xf32, #tpu.memory_space<vmem>> -> memref<32x128xf32, #tpu.memory_space<vmem>>
    %dma_wait3A_35 = arith.constant 0 : i32
    %dma_wait3A_36 = arith.constant 0 : i32
    %dma_wait3A_37 = tpu.memref_slice %dma_wait3A_34[%dma_wait3A_35, %dma_wait3A_36] : memref<32x128xf32, #tpu.memory_space<vmem>> -> memref<31x128xf32, #tpu.memory_space<vmem>>
    %dma_wait3A_38 = arith.constant 0 : i32
    %dma_wait3A_39 = tpu.memref_slice %arg5[%dma_wait3A_28, %dma_wait3A_38] : memref<128x124xi32, #tpu.memory_space<vmem>> -> memref<1x31xi32, #tpu.memory_space<vmem>>
    %dma_wait3A_40 = tpu.memref_squeeze %dma_wait3A_39 : memref<1x31xi32, #tpu.memory_space<vmem>> -> memref<31xi32, #tpu.memory_space<vmem>>
    %dma_wait3A_41 = arith.constant 0 : i32
    %dma_wait3A_42 = arith.constant 0 : i32
    %dma_wait3A_43 = tpu.memref_slice %arg10[%dma_wait3A_41, %dma_wait3A_42] : memref<837x128xf32, #tpu.memory_space<vmem_shared>> -> memref<837x128xf32, #tpu.memory_space<vmem_shared>>
    %dma_wait3A_44 = tpu.memref_slice %arg11[%dma_wait3A_30] : memref<4x!tpu.dma_semaphore, #tpu.memory_space<semaphore_mem>> -> memref<1x!tpu.dma_semaphore, #tpu.memory_space<semaphore_mem>>
    %dma_wait3A_45 = tpu.memref_squeeze %dma_wait3A_44 : memref<1x!tpu.dma_semaphore, #tpu.memory_space<semaphore_mem>> -> memref<!tpu.dma_semaphore, #tpu.memory_space<semaphore_mem>>
    tpu.wait_indirect_dma semaphore(%dma_wait3A_45 : memref<!tpu.dma_semaphore, #tpu.memory_space<semaphore_mem>>) src(%dma_wait3A_43 : memref<837x128xf32, #tpu.memory_space<vmem_shared>>) dst(%dma_wait3A_37 : memref<31x128xf32, #tpu.memory_space<vmem>>)
    %dma_wait3A_46 = arith.constant 0 : i32
    %dma_wait3A_47 = arith.constant 2 : i32
    %dma_wait3A_48 = arith.constant 3 : i32
    %dma_wait3A_49 = arith.constant 0 : i32
    %dma_wait3A_50 = arith.constant 0 : i32
    %dma_wait3A_51 = tpu.memref_slice %arg9[%dma_wait3A_47, %dma_wait3A_49, %dma_wait3A_50] : memref<4x32x128xf32, #tpu.memory_space<vmem>> -> memref<1x32x128xf32, #tpu.memory_space<vmem>>
    %dma_wait3A_52 = tpu.memref_squeeze %dma_wait3A_51 : memref<1x32x128xf32, #tpu.memory_space<vmem>> -> memref<32x128xf32, #tpu.memory_space<vmem>>
    %dma_wait3A_53 = arith.constant 0 : i32
    %dma_wait3A_54 = arith.constant 0 : i32
    %dma_wait3A_55 = tpu.memref_slice %dma_wait3A_52[%dma_wait3A_53, %dma_wait3A_54] : memref<32x128xf32, #tpu.memory_space<vmem>> -> memref<31x128xf32, #tpu.memory_space<vmem>>
    %dma_wait3A_56 = arith.constant 0 : i32
    %dma_wait3A_57 = tpu.memref_slice %arg5[%dma_wait3A_46, %dma_wait3A_56] : memref<128x124xi32, #tpu.memory_space<vmem>> -> memref<1x31xi32, #tpu.memory_space<vmem>>
    %dma_wait3A_58 = tpu.memref_squeeze %dma_wait3A_57 : memref<1x31xi32, #tpu.memory_space<vmem>> -> memref<31xi32, #tpu.memory_space<vmem>>
    %dma_wait3A_59 = arith.constant 0 : i32
    %dma_wait3A_60 = arith.constant 0 : i32
    %dma_wait3A_61 = tpu.memref_slice %arg10[%dma_wait3A_59, %dma_wait3A_60] : memref<837x128xf32, #tpu.memory_space<vmem_shared>> -> memref<837x128xf32, #tpu.memory_space<vmem_shared>>
    %dma_wait3A_62 = tpu.memref_slice %arg11[%dma_wait3A_48] : memref<4x!tpu.dma_semaphore, #tpu.memory_space<semaphore_mem>> -> memref<1x!tpu.dma_semaphore, #tpu.memory_space<semaphore_mem>>
    %dma_wait3A_63 = tpu.memref_squeeze %dma_wait3A_62 : memref<1x!tpu.dma_semaphore, #tpu.memory_space<semaphore_mem>> -> memref<!tpu.dma_semaphore, #tpu.memory_space<semaphore_mem>>
    tpu.wait_indirect_dma semaphore(%dma_wait3A_63 : memref<!tpu.dma_semaphore, #tpu.memory_space<semaphore_mem>>) src(%dma_wait3A_61 : memref<837x128xf32, #tpu.memory_space<vmem_shared>>) dst(%dma_wait3A_55 : memref<31x128xf32, #tpu.memory_space<vmem>>)
    %dma_wait3A_64 = arith.constant 0 : i32
    %dma_wait3A_65 = arith.constant 3 : i32
    %dma_wait3A_66 = arith.constant 3 : i32
    %dma_wait3A_67 = arith.constant 0 : i32
    %dma_wait3A_68 = arith.constant 0 : i32
    %dma_wait3A_69 = tpu.memref_slice %arg9[%dma_wait3A_65, %dma_wait3A_67, %dma_wait3A_68] : memref<4x32x128xf32, #tpu.memory_space<vmem>> -> memref<1x32x128xf32, #tpu.memory_space<vmem>>
    %dma_wait3A_70 = tpu.memref_squeeze %dma_wait3A_69 : memref<1x32x128xf32, #tpu.memory_space<vmem>> -> memref<32x128xf32, #tpu.memory_space<vmem>>
    %dma_wait3A_71 = arith.constant 0 : i32
    %dma_wait3A_72 = arith.constant 0 : i32
    %dma_wait3A_73 = tpu.memref_slice %dma_wait3A_70[%dma_wait3A_71, %dma_wait3A_72] : memref<32x128xf32, #tpu.memory_space<vmem>> -> memref<31x128xf32, #tpu.memory_space<vmem>>
    %dma_wait3A_74 = arith.constant 0 : i32
    %dma_wait3A_75 = tpu.memref_slice %arg5[%dma_wait3A_64, %dma_wait3A_74] : memref<128x124xi32, #tpu.memory_space<vmem>> -> memref<1x31xi32, #tpu.memory_space<vmem>>
    %dma_wait3A_76 = tpu.memref_squeeze %dma_wait3A_75 : memref<1x31xi32, #tpu.memory_space<vmem>> -> memref<31xi32, #tpu.memory_space<vmem>>
    %dma_wait3A_77 = arith.constant 0 : i32
    %dma_wait3A_78 = arith.constant 0 : i32
    %dma_wait3A_79 = tpu.memref_slice %arg10[%dma_wait3A_77, %dma_wait3A_78] : memref<837x128xf32, #tpu.memory_space<vmem_shared>> -> memref<837x128xf32, #tpu.memory_space<vmem_shared>>
    %dma_wait3A_80 = tpu.memref_slice %arg11[%dma_wait3A_66] : memref<4x!tpu.dma_semaphore, #tpu.memory_space<semaphore_mem>> -> memref<1x!tpu.dma_semaphore, #tpu.memory_space<semaphore_mem>>
    %dma_wait3A_81 = tpu.memref_squeeze %dma_wait3A_80 : memref<1x!tpu.dma_semaphore, #tpu.memory_space<semaphore_mem>> -> memref<!tpu.dma_semaphore, #tpu.memory_space<semaphore_mem>>
    tpu.wait_indirect_dma semaphore(%dma_wait3A_81 : memref<!tpu.dma_semaphore, #tpu.memory_space<semaphore_mem>>) src(%dma_wait3A_79 : memref<837x128xf32, #tpu.memory_space<vmem_shared>>) dst(%dma_wait3A_73 : memref<31x128xf32, #tpu.memory_space<vmem>>)
    %mul3A_82 = arith.constant 4 : i32
    %mul3A_83 = arith.muli %add3A, %mul3A_82 : i32
    %add3A_84 = arith.constant 127 : i32
    %add3A_85 = arith.addi %add3A_84, %mul3A_83 : i32
    %ge3A = arith.constant 128 : i32
    %ge3A_86 = arith.cmpi sge, %add3A_85, %ge3A : i32
    %sub3A = arith.constant 128 : i32
    %sub3A_87 = arith.subi %add3A_85, %sub3A : i32
    %select_n3A = arith.select %ge3A_86, %sub3A_87, %add3A_85 : i32
    %mul3A_88 = arith.constant 4 : i32
    %mul3A_89 = arith.muli %select_n3A, %mul3A_88 : i32
    %add3A_90 = arith.addi %mul3A_2, %mul3A_89 : i32
    %dma_start3A = arith.constant 3 : i32
    %dma_start3A_91 = arith.constant 0 : i32
    %dma_start3A_92 = arith.constant 0 : i32
    %dma_start3A_93 = arith.constant 0 : i32
    %dma_start3A_94 = tpu.memref_slice %arg9[%dma_start3A_91, %dma_start3A_92, %dma_start3A_93] : memref<4x32x128xf32, #tpu.memory_space<vmem>> -> memref<4x31x128xf32, #tpu.memory_space<vmem>>
    %dma_start3A_95 = arith.constant 0 : i32
    %dma_start3A_96 = arith.constant 0 : i32
    %dma_start3A_97 = tpu.memref_slice %arg4[%add3A_90, %dma_start3A_95, %dma_start3A_96] : memref<16384x31x128xf32, #tpu.memory_space<hbm>> -> memref<4x31x128xf32, #tpu.memory_space<hbm>>
    %dma_start3A_98 = tpu.memref_slice %arg12[%dma_start3A] : memref<4x!tpu.dma_semaphore, #tpu.memory_space<semaphore_mem>> -> memref<1x!tpu.dma_semaphore, #tpu.memory_space<semaphore_mem>>
    %dma_start3A_99 = tpu.memref_squeeze %dma_start3A_98 : memref<1x!tpu.dma_semaphore, #tpu.memory_space<semaphore_mem>> -> memref<!tpu.dma_semaphore, #tpu.memory_space<semaphore_mem>>
    %dma_start3A_100 = arith.constant 0 : i32
    %dma_start3A_101 = arith.constant 0 : i32
    %dma_start3A_102 = tpu.memref_slice %arg4[%add3A_90, %dma_start3A_100, %dma_start3A_101] : memref<16384x31x128xf32, #tpu.memory_space<hbm>> -> memref<4x31x128xf32, #tpu.memory_space<hbm>>
    %dma_start3A_103 = arith.constant 0 : i32
    %dma_start3A_104 = arith.constant 0 : i32
    %dma_start3A_105 = arith.constant 0 : i32
    %dma_start3A_106 = tpu.memref_slice %arg9[%dma_start3A_103, %dma_start3A_104, %dma_start3A_105] : memref<4x32x128xf32, #tpu.memory_space<vmem>> -> memref<4x31x128xf32, #tpu.memory_space<vmem>>
    tpu.enqueue_dma source(%dma_start3A_106 : memref<4x31x128xf32, #tpu.memory_space<vmem>>) target(%dma_start3A_102 : memref<4x31x128xf32, #tpu.memory_space<hbm>>) target_semaphore(%dma_start3A_99 : memref<!tpu.dma_semaphore, #tpu.memory_space<semaphore_mem>>)
    %dma_wait3A_107 = arith.constant 0 : i32
    %dma_wait3A_108 = arith.constant 0 : i32
    %dma_wait3A_109 = arith.constant 0 : i32
    %dma_wait3A_110 = arith.constant 0 : i32
    %dma_wait3A_111 = tpu.memref_slice %arg6[%dma_wait3A_108, %dma_wait3A_109, %dma_wait3A_110] : memref<4x32x128xf32, #tpu.memory_space<vmem>> -> memref<4x31x128xf32, #tpu.memory_space<vmem>>
    %dma_wait3A_112 = arith.constant 0 : i32
    %dma_wait3A_113 = arith.constant 0 : i32
    %dma_wait3A_114 = tpu.memref_slice %arg4[%mul3A_2, %dma_wait3A_112, %dma_wait3A_113] : memref<16384x31x128xf32, #tpu.memory_space<hbm>> -> memref<4x31x128xf32, #tpu.memory_space<hbm>>
    %dma_wait3A_115 = tpu.memref_slice %arg12[%dma_wait3A_107] : memref<4x!tpu.dma_semaphore, #tpu.memory_space<semaphore_mem>> -> memref<1x!tpu.dma_semaphore, #tpu.memory_space<semaphore_mem>>
    %dma_wait3A_116 = tpu.memref_squeeze %dma_wait3A_115 : memref<1x!tpu.dma_semaphore, #tpu.memory_space<semaphore_mem>> -> memref<!tpu.dma_semaphore, #tpu.memory_space<semaphore_mem>>
    %dma_wait3A_117 = arith.constant 0 : i32
    %dma_wait3A_118 = arith.constant 0 : i32
    %dma_wait3A_119 = tpu.memref_slice %arg4[%mul3A_2, %dma_wait3A_117, %dma_wait3A_118] : memref<16384x31x128xf32, #tpu.memory_space<hbm>> -> memref<4x31x128xf32, #tpu.memory_space<hbm>>
    %dma_wait3A_120 = arith.constant 0 : i32
    %dma_wait3A_121 = arith.constant 0 : i32
    %dma_wait3A_122 = arith.constant 0 : i32
    %dma_wait3A_123 = tpu.memref_slice %arg6[%dma_wait3A_120, %dma_wait3A_121, %dma_wait3A_122] : memref<4x32x128xf32, #tpu.memory_space<vmem>> -> memref<4x31x128xf32, #tpu.memory_space<vmem>>
    tpu.wait_dma2 semaphore(%dma_wait3A_116 : memref<!tpu.dma_semaphore, #tpu.memory_space<semaphore_mem>>) src(%dma_wait3A_123 : memref<4x31x128xf32, #tpu.memory_space<vmem>>) dst(%dma_wait3A_119 : memref<4x31x128xf32, #tpu.memory_space<hbm>>)
    %dma_wait3A_124 = arith.constant 1 : i32
    %dma_wait3A_125 = arith.constant 0 : i32
    %dma_wait3A_126 = arith.constant 0 : i32
    %dma_wait3A_127 = arith.constant 0 : i32
    %dma_wait3A_128 = tpu.memref_slice %arg7[%dma_wait3A_125, %dma_wait3A_126, %dma_wait3A_127] : memref<4x32x128xf32, #tpu.memory_space<vmem>> -> memref<4x31x128xf32, #tpu.memory_space<vmem>>
    %dma_wait3A_129 = arith.constant 0 : i32
    %dma_wait3A_130 = arith.constant 0 : i32
    %dma_wait3A_131 = tpu.memref_slice %arg4[%mul3A_2, %dma_wait3A_129, %dma_wait3A_130] : memref<16384x31x128xf32, #tpu.memory_space<hbm>> -> memref<4x31x128xf32, #tpu.memory_space<hbm>>
    %dma_wait3A_132 = tpu.memref_slice %arg12[%dma_wait3A_124] : memref<4x!tpu.dma_semaphore, #tpu.memory_space<semaphore_mem>> -> memref<1x!tpu.dma_semaphore, #tpu.memory_space<semaphore_mem>>
    %dma_wait3A_133 = tpu.memref_squeeze %dma_wait3A_132 : memref<1x!tpu.dma_semaphore, #tpu.memory_space<semaphore_mem>> -> memref<!tpu.dma_semaphore, #tpu.memory_space<semaphore_mem>>
    %dma_wait3A_134 = arith.constant 0 : i32
    %dma_wait3A_135 = arith.constant 0 : i32
    %dma_wait3A_136 = tpu.memref_slice %arg4[%mul3A_2, %dma_wait3A_134, %dma_wait3A_135] : memref<16384x31x128xf32, #tpu.memory_space<hbm>> -> memref<4x31x128xf32, #tpu.memory_space<hbm>>
    %dma_wait3A_137 = arith.constant 0 : i32
    %dma_wait3A_138 = arith.constant 0 : i32
    %dma_wait3A_139 = arith.constant 0 : i32
    %dma_wait3A_140 = tpu.memref_slice %arg7[%dma_wait3A_137, %dma_wait3A_138, %dma_wait3A_139] : memref<4x32x128xf32, #tpu.memory_space<vmem>> -> memref<4x31x128xf32, #tpu.memory_space<vmem>>
    tpu.wait_dma2 semaphore(%dma_wait3A_133 : memref<!tpu.dma_semaphore, #tpu.memory_space<semaphore_mem>>) src(%dma_wait3A_140 : memref<4x31x128xf32, #tpu.memory_space<vmem>>) dst(%dma_wait3A_136 : memref<4x31x128xf32, #tpu.memory_space<hbm>>)
    %dma_wait3A_141 = arith.constant 2 : i32
    %dma_wait3A_142 = arith.constant 0 : i32
    %dma_wait3A_143 = arith.constant 0 : i32
    %dma_wait3A_144 = arith.constant 0 : i32
    %dma_wait3A_145 = tpu.memref_slice %arg8[%dma_wait3A_142, %dma_wait3A_143, %dma_wait3A_144] : memref<4x32x128xf32, #tpu.memory_space<vmem>> -> memref<4x31x128xf32, #tpu.memory_space<vmem>>
    %dma_wait3A_146 = arith.constant 0 : i32
    %dma_wait3A_147 = arith.constant 0 : i32
    %dma_wait3A_148 = tpu.memref_slice %arg4[%mul3A_2, %dma_wait3A_146, %dma_wait3A_147] : memref<16384x31x128xf32, #tpu.memory_space<hbm>> -> memref<4x31x128xf32, #tpu.memory_space<hbm>>
    %dma_wait3A_149 = tpu.memref_slice %arg12[%dma_wait3A_141] : memref<4x!tpu.dma_semaphore, #tpu.memory_space<semaphore_mem>> -> memref<1x!tpu.dma_semaphore, #tpu.memory_space<semaphore_mem>>
    %dma_wait3A_150 = tpu.memref_squeeze %dma_wait3A_149 : memref<1x!tpu.dma_semaphore, #tpu.memory_space<semaphore_mem>> -> memref<!tpu.dma_semaphore, #tpu.memory_space<semaphore_mem>>
    %dma_wait3A_151 = arith.constant 0 : i32
    %dma_wait3A_152 = arith.constant 0 : i32
    %dma_wait3A_153 = tpu.memref_slice %arg4[%mul3A_2, %dma_wait3A_151, %dma_wait3A_152] : memref<16384x31x128xf32, #tpu.memory_space<hbm>> -> memref<4x31x128xf32, #tpu.memory_space<hbm>>
    %dma_wait3A_154 = arith.constant 0 : i32
    %dma_wait3A_155 = arith.constant 0 : i32
    %dma_wait3A_156 = arith.constant 0 : i32
    %dma_wait3A_157 = tpu.memref_slice %arg8[%dma_wait3A_154, %dma_wait3A_155, %dma_wait3A_156] : memref<4x32x128xf32, #tpu.memory_space<vmem>> -> memref<4x31x128xf32, #tpu.memory_space<vmem>>
    tpu.wait_dma2 semaphore(%dma_wait3A_150 : memref<!tpu.dma_semaphore, #tpu.memory_space<semaphore_mem>>) src(%dma_wait3A_157 : memref<4x31x128xf32, #tpu.memory_space<vmem>>) dst(%dma_wait3A_153 : memref<4x31x128xf32, #tpu.memory_space<hbm>>)
    %dma_wait3A_158 = arith.constant 3 : i32
    %dma_wait3A_159 = arith.constant 0 : i32
    %dma_wait3A_160 = arith.constant 0 : i32
    %dma_wait3A_161 = arith.constant 0 : i32
    %dma_wait3A_162 = tpu.memref_slice %arg9[%dma_wait3A_159, %dma_wait3A_160, %dma_wait3A_161] : memref<4x32x128xf32, #tpu.memory_space<vmem>> -> memref<4x31x128xf32, #tpu.memory_space<vmem>>
    %dma_wait3A_163 = arith.constant 0 : i32
    %dma_wait3A_164 = arith.constant 0 : i32
    %dma_wait3A_165 = tpu.memref_slice %arg4[%mul3A_2, %dma_wait3A_163, %dma_wait3A_164] : memref<16384x31x128xf32, #tpu.memory_space<hbm>> -> memref<4x31x128xf32, #tpu.memory_space<hbm>>
    %dma_wait3A_166 = tpu.memref_slice %arg12[%dma_wait3A_158] : memref<4x!tpu.dma_semaphore, #tpu.memory_space<semaphore_mem>> -> memref<1x!tpu.dma_semaphore, #tpu.memory_space<semaphore_mem>>
    %dma_wait3A_167 = tpu.memref_squeeze %dma_wait3A_166 : memref<1x!tpu.dma_semaphore, #tpu.memory_space<semaphore_mem>> -> memref<!tpu.dma_semaphore, #tpu.memory_space<semaphore_mem>>
    %dma_wait3A_168 = arith.constant 0 : i32
    %dma_wait3A_169 = arith.constant 0 : i32
    %dma_wait3A_170 = tpu.memref_slice %arg4[%mul3A_2, %dma_wait3A_168, %dma_wait3A_169] : memref<16384x31x128xf32, #tpu.memory_space<hbm>> -> memref<4x31x128xf32, #tpu.memory_space<hbm>>
    %dma_wait3A_171 = arith.constant 0 : i32
    %dma_wait3A_172 = arith.constant 0 : i32
    %dma_wait3A_173 = arith.constant 0 : i32
    %dma_wait3A_174 = tpu.memref_slice %arg9[%dma_wait3A_171, %dma_wait3A_172, %dma_wait3A_173] : memref<4x32x128xf32, #tpu.memory_space<vmem>> -> memref<4x31x128xf32, #tpu.memory_space<vmem>>
    tpu.wait_dma2 semaphore(%dma_wait3A_167 : memref<!tpu.dma_semaphore, #tpu.memory_space<semaphore_mem>>) src(%dma_wait3A_174 : memref<4x31x128xf32, #tpu.memory_space<vmem>>) dst(%dma_wait3A_170 : memref<4x31x128xf32, #tpu.memory_space<hbm>>)
    return
  }
}

module attributes {stable_mosaic.version = 14 : i64} {
  func.func @_prep_body(%arg0: memref<16384x31xi32, #tpu.memory_space<vmem>>, %arg1: memref<27x128xf32, #tpu.memory_space<vmem>>, %arg2: memref<31x128xf32, #tpu.memory_space<vmem>>, %arg3: memref<837x128xf32, #tpu.memory_space<vmem>>, %arg4: memref<16384x31xi32, #tpu.memory_space<vmem>>) attributes {dimension_semantics = [], scalar_prefetch = 0 : i64, scratch_operands = 0 : i64, tpu.core_type = #tpu.core_type<tc>} {
    %get3A = arith.constant 0 : index
    %get3A_0 = arith.constant 0 : index
    %get3A_1 = vector.load %arg1[%get3A, %get3A_0] : memref<27x128xf32, #tpu.memory_space<vmem>>, vector<27x128xf32>
    %broadcast_in_dim3A = vector.shape_cast %get3A_1 : vector<27x128xf32> to vector<27x1x128xf32>
    %get3A_2 = arith.constant 0 : index
    %get3A_3 = arith.constant 0 : index
    %get3A_4 = vector.load %arg2[%get3A_2, %get3A_3] : memref<31x128xf32, #tpu.memory_space<vmem>>, vector<31x128xf32>
    %broadcast_in_dim3A_5 = vector.shape_cast %get3A_4 : vector<31x128xf32> to vector<1x31x128xf32>
    %add3A = vector.broadcast %broadcast_in_dim3A : vector<27x1x128xf32> to vector<27x31x128xf32>
    %add3A_6 = vector.broadcast %broadcast_in_dim3A_5 : vector<1x31x128xf32> to vector<27x31x128xf32>
    %add3A_7 = arith.addf %add3A, %add3A_6 : vector<27x31x128xf32>
    %reshape3A = vector.shape_cast %add3A_7 : vector<27x31x128xf32> to vector<837x128xf32>
    %swap3A = arith.constant 0 : index
    %swap3A_8 = arith.constant 0 : index
    %swap3A_9 = vector.load %arg3[%swap3A, %swap3A_8] : memref<837x128xf32, #tpu.memory_space<vmem>>, vector<837x128xf32>
    tpu.vector_store %arg3[%swap3A, %swap3A_8], %reshape3A {strides = array<i32>} : memref<837x128xf32, #tpu.memory_space<vmem>>, vector<837x128xf32>,
    %iota3A = tpu.iota {dimensions = array<i32: 1>} : vector<16384x31xi32>
    %get3A_10 = arith.constant 0 : index
    %get3A_11 = arith.constant 0 : index
    %get3A_12 = vector.load %arg0[%get3A_10, %get3A_11] : memref<16384x31xi32, #tpu.memory_space<vmem>>, vector<16384x31xi32>
    %mul3A = arith.constant 31 : i32
    %mul3A_13 = vector.broadcast %mul3A : i32 to vector<16384x31xi32>
    %mul3A_14 = arith.muli %get3A_12, %mul3A_13 : vector<16384x31xi32>
    %add3A_15 = arith.addi %mul3A_14, %iota3A : vector<16384x31xi32>
    %swap3A_16 = arith.constant 0 : index
    %swap3A_17 = arith.constant 0 : index
    %swap3A_18 = vector.load %arg4[%swap3A_16, %swap3A_17] : memref<16384x31xi32, #tpu.memory_space<vmem>>, vector<16384x31xi32>
    tpu.vector_store %arg4[%swap3A_16, %swap3A_17], %add3A_15 {strides = array<i32>} : memref<16384x31xi32, #tpu.memory_space<vmem>>, vector<16384x31xi32>,
    return
  }
}

</mosaic_0001>

<sc_bundles>
// kernel: kernel.4.cloned.1.call-start
scs
__scs_entry_jumppad:
0x0: {  	(pc) =	sbr.rel $0x88, $3  }
0x1: {  	(tag) =	ssettag $0x0;
	lr =	simm.s32 $0x1  }
0x2: {  	[smem:$0x3F9E] =	sst lr;
	_ =	strace $0xD0000000  }
0x3: {  	_ = 	snop  }
0x4: {  	_ = 	snop  }
0x5: {  	_ = 	snop  }
0x6: {  	_ = 	snop  }
0x7: {  	_ = 	snop  }
__scs_overlays_trampoline_lowered:
0x8: {  	[smem:$0x3FAD] =	sst s0  }
0x9: {  	[smem:$0x3FAE] =	sst s1  }
0xa: {  	[smem:$0x3FAF] =	sst s2  }
0xb: {  	[smem:$0x3FB0] =	sst s3  }
0xc: {  	[smem:$0x3FB1] =	sst s4  }
0xd: {  	[smem:$0x3FB2] =	sst s5  }
0xe: {  	[smem:$0x3FB3] =	sst s6  }
0xf: {  	[smem:$0x3FB4] =	sst s7  }
0x10: {  	[smem:$0x3FB5] =	sst s8  }
0x11: {  	[smem:$0x3FB6] =	sst s9;
	s0 =	simm.s32 @!p0 $0x0  }
0x12: {  	s1 =	sld [smem:$0x3F9C];
	s0 =	simm.s32 @p0 $0x1  }
0x13: {  	[smem:$0x3FB7] =	sst s0;
	s0 =	simm.s32 @!p1 $0x0  }
0x14: {  	s2 =	sld [smem:$0x3F9B];
	s0 =	simm.s32 @p1 $0x1  }
0x15: {  	[smem:$0x3FB8] =	sst s0;
	s0 =	simm.s32 @!p2 $0x0  }
0x16: {  	s3 =	sld [smem:$0x3FDB];
	s0 =	simm.s32 @p2 $0x1  }
0x17: {  	s4 =	simm.s32 $0x1BF5;
	[smem:$0x3FBA] =	sst s0  }
0x18: {  	s0 =	sld [smem:$0x3F9D];
	_ =	swait.ge [sflag:s4], $0x0  }
0x19: {  	s7 =	sld [smem:$0x3F9E]  }
0x1a: {  	s8 =	sadd.s32 $0xFFFFE003, lr  }
0x1b: {  	s9 =	sadd.s32 $0xFFFFFEF7, lr;
	s5 =	simm.s32 $0xFFFFFFFF;
	p2 =	slt.u32 s8, $0xFFFFF086  }
0x1c: {  	p1 =	slt.u32 s9, $0xF7A;
	s5 =	simm.s32 @!p2 $0x0  }
0x1d: {  	s5 =	simm.s32 @p1 $0x1;
	p0 =	seq.s32 s7, s2  }
0x1e: {  	s7 =	smul.u32 @!p0 $0xF7A, s2;
	p2 =	seq.s32 @!p0 s5, $0x0  }
0x1f: {  	s9 =	smul.u32 $0xF7A, s1;
	s8 =	simm.s32 @!p0 $0x1BF5;
	p2 =	por !p2, p0  }
0x20: {  	[sflag:s8] =	ssyncset.s32 @!p0 $0xFFFFF086;
	s6 =	sadd.s32 @!p0 s3, s7;
	s7 =	simm.s32 @!p0 $0x108  }
0x21: {  	s3 =	sadd.s32 s3, s9;
	s6 =	sadd.s32 @!p0 $0x88, s6;
	s7 =	simm.s32 @p2 $0x1082  }
0x22: {  	[simem:s7], [sflag:s8] =	dma.local @!p0 [hbm:s6], $0xF7A  }
0x23: {  	s9 =	sor.u32 $0xD0000000, s2;
	s6 =	simm.s32 $0x108;
	_ =	swait.ge @!p0 [sflag:s8], $0x0  }
0x24: {  	s3 =	sadd.s32 $0x88, s3;
	s6 =	simm.s32 @!p1 $0x1082;
	[sflag:s4] =	ssyncset.s32 $0xFFFFF086  }
0x25: {  	[simem:s6], [sflag:s4] =	dma.local [hbm:s3], $0xF7A  }
0x26: {  	[smem:$0x3F9E] =	sst s1;
	(tag) =	ssettag s2;
	_ =	strace s9  }
0x27: {  	s1 =	sld [smem:$0x3FAE]  }
0x28: {  	s2 =	sld [smem:$0x3FAF]  }
0x29: {  	s4 =	sld [smem:$0x3FB1]  }
0x2a: {  	p0 =	seq.s32 s5, $0x0;
	s5 =	sld [smem:$0x3FB2]  }
0x2b: {  	s6 =	sld [smem:$0x3FB3]  }
0x2c: {  	s7 =	sld [smem:$0x3FB4]  }
0x2d: {  	s3 =	simm.s32 $0x108;
	s8 =	sld [smem:$0x3FB5]  }
0x2e: {  	s3 =	simm.s32 @!p0 $0x1082;
	s9 =	sld [smem:$0x3FB6]  }
0x2f: {  	lr =	sadd.s32 s0, s3;
	s0 =	sld [smem:$0x3FAD]  }
0x30: {  	s3 =	sld [smem:$0x3FB0]  }
0x31: {  	[smem:$0x3FB9] =	sst s10  }
0x32: {  	s10 =	sld [smem:$0x3FB7];
	_ =	sdelay $0x3  }
0x33: {  	p0 =	seq.s32 s10, $0x1;
	s10 =	sld [smem:$0x3FB9];
	_ =	sdelay $0x3  }
0x34: {  	[smem:$0x3FB9] =	sst s10  }
0x35: {  	s10 =	sld [smem:$0x3FB8];
	_ =	sdelay $0x3  }
0x36: {  	p1 =	seq.s32 s10, $0x1;
	s10 =	sld [smem:$0x3FB9];
	_ =	sdelay $0x3  }
0x37: {  	[smem:$0x3FB9] =	sst s10  }
0x38: {  	s10 =	sld [smem:$0x3FBA]  }
0x39: {  	_ = 	snop;
	(pc) =	sbr.ind lr, $3  }
0x3a: {  	_ = 	snop  }
0x3b: {  	_ = 	snop  }
0x3c: {  	p2 =	seq.s32 s10, $0x1;
	s10 =	sld [smem:$0x3FB9]  }
0x3d: {  	_ =	shalt  }
0x3e: {  	_ =	shalt  }
0x3f: {  	_ =	shalt  }
0x40: {  	_ =	shalt  }
0x41: {  	_ =	shalt  }
0x42: {  	_ =	shalt  }
0x43: {  	_ =	shalt  }
0x44: {  	_ =	shalt  }
0x45: {  	_ =	shalt  }
0x46: {  	_ =	shalt  }
0x47: {  	_ =	shalt  }
0x48: {  	_ =	shalt  }
0x49: {  	_ =	shalt  }
0x4a: {  	_ =	shalt  }
0x4b: {  	_ =	shalt  }
0x4c: {  	_ =	shalt  }
0x4d: {  	_ =	shalt  }
0x4e: {  	_ =	shalt  }
0x4f: {  	_ =	shalt  }
0x50: {  	_ =	shalt  }
0x51: {  	_ =	shalt  }
0x52: {  	_ =	shalt  }
0x53: {  	_ =	shalt  }
0x54: {  	_ =	shalt  }
0x55: {  	_ =	shalt  }
0x56: {  	_ =	shalt  }
0x57: {  	_ =	shalt  }
0x58: {  	_ =	shalt  }
0x59: {  	_ =	shalt  }
0x5a: {  	_ =	shalt  }
0x5b: {  	_ =	shalt  }
0x5c: {  	_ =	shalt  }
0x5d: {  	_ =	shalt  }
0x5e: {  	_ =	shalt  }
0x5f: {  	_ =	shalt  }
0x60: {  	_ =	shalt  }
0x61: {  	_ =	shalt  }
0x62: {  	_ =	shalt  }
0x63: {  	_ =	shalt  }
0x64: {  	_ =	shalt  }
0x65: {  	_ =	shalt  }
0x66: {  	_ =	shalt  }
0x67: {  	_ =	shalt  }
0x68: {  	_ =	shalt  }
0x69: {  	_ =	shalt  }
0x6a: {  	_ =	shalt  }
0x6b: {  	_ =	shalt  }
0x6c: {  	_ =	shalt  }
0x6d: {  	_ =	shalt  }
0x6e: {  	_ =	shalt  }
0x6f: {  	_ =	shalt  }
0x70: {  	_ =	shalt  }
0x71: {  	_ =	shalt  }
0x72: {  	_ =	shalt  }
0x73: {  	_ =	shalt  }
0x74: {  	_ =	shalt  }
0x75: {  	_ =	shalt  }
0x76: {  	_ =	shalt  }
0x77: {  	_ =	shalt  }
0x78: {  	_ =	shalt  }
0x79: {  	_ =	shalt  }
0x7a: {  	_ =	shalt  }
0x7b: {  	_ =	shalt  }
0x7c: {  	_ =	shalt  }
0x7d: {  	_ =	shalt  }
0x7e: {  	_ =	shalt  }
0x7f: {  	_ =	shalt  }
0x80: {  	_ =	shalt  }
0x81: {  	_ =	shalt  }
0x82: {  	_ =	shalt  }
0x83: {  	_ =	shalt  }
0x84: {  	_ =	shalt  }
0x85: {  	_ =	shalt  }
0x86: {  	_ =	shalt  }
0x87: {  	_ =	shalt  }
.Lfunc_end0:
.L_simem_size_0:
called_computation_lowered:
.L_overlay_start_0:
0x88: {  	s2 =	sld [smem:$0x3FD9]  }
0x89: {  	s3 =	sld [smem:$0x3FFE];
	_ =	sdelay $0x1  }
0x8a: {  	s1 =	srdreg.scid  }
0x8b: {  	s0 =	sand.u32 $0x1, s1  }
0x8c: {  	s17 =	sshll.u32 s0, $0xA;
	s2 =	sadd.s32 s3, s2  }
0x8d: {  	s2 =	sadd.s32 s2, s17  }
0x8e: {  	[smem:$0x3FC5] =	sst s2  }
0x8f: {  	_ = 	snop  }
0x90: {  	s2 =	sld [smem:$0x3FD0];
	(tm) =	ssettm $0x1  }
0x91: {  	s18 =	sld [smem:$0x3FFB];
	_ =	sdelay $0x3  }
0x92: {  	_ =	strace s18  }
0x93: {  	s3 =	sld [smem:$0x3FFC];
	_ =	sdelay $0x3  }
0x94: {  	_ =	strace s3  }
0x95: {  	s3 =	sld [smem:$0x3FFD];
	_ =	sdelay $0x3  }
0x96: {  	_ =	strace s3  }
0x97: {  	_ =	strace $0x8FFFFFFF  }
0x98: {  	s19 =	sld [smem:$0x3FDB];
	_ =	sdelay $0x1  }
0x99: {  	s4 =	simm.s32 $_scs_section_size  }
0x9a: {  	s5 =	simm.s32 $_size__tile_overlayer_lowered;
	s6 =	simm.s32 $_tile_overlayer_lowered  }
0x9b: {  	s22 =	simm.s32 $0x1BFF;
	s21 =	sshll.u32 s6, $0x1;
	s3 =	sadd.s32 s4, s19  }
0x9c: {  	s7 =	simm.s32 $0x0;
	s20 =	sshll.u32 s5, $0x1;
	s5 =	sadd.s32 s21, s3  }
0x9d: {  	[timem:s7], [sflag:s22] =	dma.local [hbm:s5], s20  }
0x9e: {  	_ =	swait.ge [sflag:s22], s20  }
0x9f: {  	s4 =	ssub.s32 $0x0, s20;
	[sflag:s22] =	ssyncset.done $0x0  }
0xa0: {  	[sflag:s22] =	ssyncadd.s32 s4;
	_ =	sdelay $0x1  }
0xa1: {  	s23 =	simm.s32 $0x1B8B  }
0xa2: {  	_ =	swait.ge [sflag:s23], $0x1  }
0xa3: {  	[sflag:s23] =	ssyncset.done $0x0  }
0xa4: {  	s25 =	simm.s32 $0x1B8E;
	s24 =	sld [smem:$0x3FFE];
	[sflag:s23] =	ssyncadd.s32 $0xFFFFFFFF  }
0xa5: {  	s26 =	simm.s32 $execute0_lowered;
	[smem:$0x3FD2] =	sst s25  }
0xa6: {  	s5 =	sshll.u32 s26, $0x1;
	_ =	strace $0x80000046;
	[dreg:$0x1] =	wrdreg $0xFFFFFFFF  }
0xa7: {  	s28 =	simm.s32 $_size_execute0_lowered;
	s3 =	sadd.s32 s3, s5;
	[dreg:$0x0] =	wrdreg $0x0  }
0xa8: {  	s5 =	sshll.u32 s28, $0x1;
	[dreg:$0x2] =	wrdreg s3  }
0xa9: {  	[dreg:$0x3] =	wrdreg s5  }
0xaa: {  	[dreg:$0x4] =	wrdreg $0xC0  }
0xab: {  	_ =	task [dreg:s7], $0x5FFFF  }
0xac: {  	[dreg:$0x1] =	wrdreg $0xFFFFFFFF  }
0xad: {  	[dreg:$0x0] =	wrdreg $0x60  }
0xae: {  	[dreg:$0x2] =	wrdreg s24  }
0xaf: {  	[dreg:$0x3] =	wrdreg s2  }
0xb0: {  	[dreg:$0x4] =	wrdreg $0x140000  }
0xb1: {  	[dreg:$0x5] =	wrdreg $0x9  }
0xb2: {  	_ =	task.clear_ibuf [dreg:s7], $0x6FFFF;
	_ =	strace $0x90000046  }
0xb3: {  	s29 =	simm.s32 $0x9;
	_ =	strace $0x80000048  }
0xb4: {  	_ =	swait.ge [sflag:s29], $0x1  }
0xb5: {  	[sflag:s29] =	ssyncadd.s32 $0xFFFFFFFF  }
0xb6: {  	_ =	strace $0x90000048  }
0xb7: {  	_ =	sfence  }
0xb8: {  	s30 =	sld [smem:$0x0];
	_ =	sdelay $0x2  }
0xb9: {  	s31 =	sshll.u32 s1, $0xD;
	s1 =	sshrl.u32 s1, $0x2  }
0xba: {  	s3 =	sand.u32 $0x4000, s31;
	s1 =	sadd.s32 s1, s30  }
0xbb: {  	s0 =	sor.u32 s3, s0;
	s1 =	sshll.u32 s1, $0x11  }
0xbc: {  	s0 =	sor.u32 s1, s0  }
0xbd: {  	s0 =	sadd.s32 $0x8F2B, s0  }
0xbe: {  	[sflag:s0] =	ssyncadd.remote.s32 $0x1  }
0xbf: {  	_ =	sfence.sel $0xFFFF  }
0xc0: {  	[dreg:$0x0] =	wrdreg $0xFFFFFFFF;
	(pc) =	sbr.abs _section_cstart, $3  }
0xc1: {  	[dreg:$0x1] =	wrdreg $0xFFFFFFFF  }
0xc2: {  	_ =	task.clear_ibuf [dreg:s7], $0x2FFFF;
	_ =	strace $0x9FFFFFFF  }
0xc3: {  	(tm) =	ssettm $0x7FFFFFFF  }
tec
execute0_lowered:
.L_overlay_start_1:
0x0: {  	(tag) =	ssettag $0x1  }
0x1: {  	s0 =	rddreg [dreg:$0x0]  }
0x2: {  	s3 =	rddreg [dreg:$0x1]  }
0x3: {  	s1 =	rddreg [dreg:$0x2];
	s2 =	simm.s32 $0x0  }
0x4: {  	s4 =	srdreg.scid;
	s5 =	stileid.u32;
	s14 =	simm.s32 $0x1F  }
0x5: {  	s29 =	simm.s32 $0x2;
	s28 =	simm.s32 $0x13000;
	[smem:$0x7FF] =	sst s2  }
0x6: {  	s7 =	sand.u32 $0x1, s4;
	s15 =	sshll.u32 s5, $0x1;
	s8 =	sadd.s32 $0xC00, s0  }
0x7: {  	s4 =	sadd.s32 $0x4200, s0;
	s22 =	sshll.u32 s5, $0xE;
	s25 =	sshll.u32 s5, $0x3  }
0x8: {  	s26 =	sshll.u32 s5, $0xA;
	_ =	strace $0x80000047;
	s6 =	ssub.s32 $0x2, s7  }
0x9: {  	[dreg:$0x6] =	wrdreg s8;
	s9 =	sor.u32 s7, s15;
	s10 =	sshll.u32 s7, $0xD  }
0xa: {  	s30 =	sshll.u32 s7, $0x9;
	s7 =	sshll.u32 s7, $0x2;
	s16 =	sshrl.u32 s6, $0x1  }
0xb: {  	s18 =	sshll.u32 s9, $0xB;
	s19 =	sshll.u32 s9, $0x2;
	s20 =	sshll.u32 s9, $0x10  }
0xc: {  	p0 =	seq.s32 s9, $0x0;
	s21 =	sshll.u32 s9, $0x12;
	s23 =	sor.u32 s10, s22  }
0xd: {  	s10 =	sor.u32 s7, s25;
	s7 =	simm.s32 $0x0;
	s25 =	simm.s32 $0x9000  }
0xe: {  	s17 =	ssub.s32 s6, s16;
	s3 =	sadd.s32 s3, s18;
	[dreg:$0x4] =	wrdreg s19  }
0xf: {  	s6 =	sshll.u32 s9, $0x15;
	[dreg:$0x5] =	wrdreg s21;
	s24 =	sadd.s32 $0x1FFBF800, s23  }
0x10: {  	s19 =	simm.s32 $0x1;
	[dreg:$0x7] =	wrdreg s3;
	s3 =	sadd.s32 $0xFFFFC000, s20  }
0x11: {  	s0 =	smax.u32 s17, $0x1;
	s3 =	simm.s32 @p0 $0x1FC000;
	p0 =	sne.s32 s5, $0x0  }
0x12: {  	[dreg:$0x9] =	wrdreg s0;
	s3 =	sadd.s32 s6, s3;
	s0 =	simm.s32 @!p0 $0x0  }
0x13: {  	[dreg:$0xa] =	wrdreg s24;
	s3 =	sshrl.u32 s3, $0x3;
	s0 =	simm.s32 @p0 $0x1  }
0x14: {  	s23 =	simm.s32 $0xF000;
	s3 =	sadd.s32 s4, s3;
	[smem:$0x7FD] =	sst s0  }
0x15: {  	s0 =	sshrl.u32 @!p0 s1, $0x3;
	[dreg:$0x8] =	wrdreg s3;
	s3 =	sor.u32 s30, s26  }
0x16: {  	s24 =	simm.s32 $0x7000;
	[dreg:$0xc] =	wrdreg s0;
	s31 =	sor.u32 $0xFFFFC180, s3  }
0x17: {  	s5 =	simm.s32 $0x3;
	s26 =	simm.s32 $0xF000;
	[dreg:$0xb] =	wrdreg s31  }
.LBB2_1:
0x18: {  	s0 =	sld [smem:$0x7FD];
	_ =	sdelay $0x1  }
0x19: {  	[dreg:$0xd] =	wrdreg s7  }
0x1a: {  	s3 =	rddreg [dreg:$0x6];
	p0 =	seq.s32 s0, $0x1  }
0x1b: {  	s7 =	rddreg [dreg:$0xc];
	s0 =	simm.s32 @!p0 $0x1C09  }
0x1c: {  	[spmem:s7], [sflag:s0] =	dma.local @!p0 [hbm:s3], $0x3450  }
0x1d: {  	s0 =	simm.s32 @!p0 $0x9  }
0x1e: {  	_ =	swait.ge @!p0 [sflag:s0], $0x3450  }
0x1f: {  	[sflag:s0] =	ssyncset.done @!p0 $0x0  }
0x20: {  	s16 =	simm.s32 $0x9;
	s15 =	rddreg [dreg:$0x7];
	[sflag:s0] =	ssyncadd.s32 @!p0 $0xFFFFCBB0  }
0x21: {  	[tilespmem:s2], [sflag:$0x9] =	stream.linear.gather [hbm4b:s15+s2], $0x4000, $0x38;
	[tilespmem:$0x15A28] =	vst v63  }
0x22: {  	_ =	swait.ge [sflag:s16], $0x4000  }
0x23: {  	p2 =	por $0x1, $0x1;
	[sflag:s16] =	ssyncset.done $0x0  }
0x24: {  	p1 =	por p2, p2;
	s0 =	sadd.s32 $0x0, s10;
	[sflag:s16] =	ssyncadd.s32 $0xFFFFC000  }
0x25: {  	s7 =	simm.s32 @!p1 $0x5;
	s17 =	sadd.s32 $0xFFFFFF80, s0;
	[bflag:$0x0] =	sbarrier.arrive $0xFFFF  }
0x26: {  	s3 =	smin.u32 s17, s0;
	_ =	swait.ge @!p1 [sflag:s7], $0x3E00  }
0x27: {  	s8 =	sshll.u32 s3, $0x9;
	[sflag:s7] =	ssyncset.done @!p1 $0x0  }
0x28: {  	s12 =	simm.s32 $0x4000;
	s18 =	sshra.s32 s8, $0x2;
	[sflag:s7] =	ssyncadd.s32 @!p1 $0xFFFFC200  }
0x29: {  	[tilespmem:s12], [sflag:$0x1] =	stream.indirect.gather [spmem:s1], $0x80, s18, s14, $0xb8;
	[tilespmem:$0x15A28] =	vst v63  }
0x2a: {  	s13 =	simm.s32 $0x5000;
	s8 =	sor.u32 $0x1F, s18  }
0x2b: {  	[tilespmem:s13], [sflag:$0x1] =	stream.indirect.gather [spmem:s1], $0x80, s8, s14, $0xb8;
	[tilespmem:$0x15A28] =	vst v63  }
0x2c: {  	s16 =	simm.s32 $0x6000;
	s20 =	sor.u32 $0x3E, s18  }
0x2d: {  	[tilespmem:s16], [sflag:$0x1] =	stream.indirect.gather [spmem:s1], $0x80, s20, s14, $0xb8;
	[tilespmem:$0x15A28] =	vst v63  }
0x2e: {  	s17 =	simm.s32 $0x7000;
	s7 =	sor.u32 $0x5D, s18;
	s8 =	simm.s32 @!p1 $0x4  }
0x2f: {  	[tilespmem:s17], [sflag:$0x1] =	stream.indirect.gather [spmem:s1], $0x80, s7, s14, $0xb8;
	[tilespmem:$0x15A28] =	vst v63  }
0x30: {  	_ =	swait.ge @!p1 [sflag:s8], $0xF80  }
0x31: {  	[sflag:s8] =	ssyncset.done @!p1 $0x0  }
0x32: {  	[sflag:s8] =	ssyncadd.s32 @!p1 $0xFFFFF080  }
0x33: {  	_ =	swait.ge @!p1 [sflag:s8], $0xF80  }
0x34: {  	[sflag:s8] =	ssyncset.done @!p1 $0x0  }
0x35: {  	[sflag:s8] =	ssyncadd.s32 @!p1 $0xFFFFF080  }
0x36: {  	_ =	swait.ge @!p1 [sflag:s8], $0xF80  }
0x37: {  	s7 =	sadd.s32 @!p2 $0x0, s10;
	[sflag:s8] =	ssyncset.done @!p1 $0x0  }
0x38: {  	s7 =	sadd.s32 @!p2 $0xFFFFFFFF, s7;
	[sflag:s8] =	ssyncadd.s32 @!p1 $0xFFFFF080  }
0x39: {  	p0 =	sgt.s32 @!p2 s7, $0x7F;
	_ =	swait.ge @!p1 [sflag:s8], $0xF80  }
0x3a: {  	p0 =	por !p0, p2;
	s15 =	rddreg [dreg:$0xa]  }
0x3b: {  	p0 =	por p0, p0;
	s9 =	sadd.s32 @!p1 $0xE0040000, s15;
	s11 =	smov.u32 s15  }
0x3c: {  	s7 =	rddreg [dreg:$0x5];
	s11 =	smov.u32 @p0 s9  }
0x3d: {  	[sflag:s8] =	ssyncset.done @!p1 $0x0;
	s7 =	sadd.s32 @!p1 s7, s11  }
0x3e: {  	[sflag:s8] =	ssyncadd.s32 @!p1 $0xFFFFF080;
	s7 =	sand.u32 @!p1 $0x1FFFF800, s7  }
0x3f: {  	s8 =	simm.s32 @!p1 $0x0;
	s9 =	simm.s32 @!p1 $0x10000;
	s7 =	sadd.s32 @!p1 s4, s7  }
0x40: {  	[hbm4b:s7+s8] =	stream.linear.scatter @!p1 [tilespmem:s9], [sflag:$0x8], $0xF80, $0x38;
	[tilespmem:$0x15A28] =	vst v63  }
0x41: {  	s11 =	simm.s32 @!p1 $0x11000;
	s9 =	sadd.s32 @!p1 $0x200, s7  }
0x42: {  	[hbm4b:s9+s8] =	stream.linear.scatter @!p1 [tilespmem:s11], [sflag:$0x8], $0xF80, $0x38;
	[tilespmem:$0x15A28] =	vst v63  }
0x43: {  	s9 =	sadd.s32 @!p1 $0x400, s7;
	s11 =	simm.s32 @!p1 $0x12000  }
0x44: {  	[hbm4b:s9+s8] =	stream.linear.scatter @!p1 [tilespmem:s11], [sflag:$0x8], $0xF80, $0x38;
	[tilespmem:$0x15A28] =	vst v63  }
0x45: {  	s7 =	sadd.s32 @!p1 $0x600, s7;
	s9 =	simm.s32 @!p1 $0x13000;
	s11 =	simm.s32 @!p1 $0x6  }
0x46: {  	[hbm4b:s7+s8] =	stream.linear.scatter @!p1 [tilespmem:s9], [sflag:$0x8], $0xF80, $0x38;
	[tilespmem:$0x15A28] =	vst v63  }
0x47: {  	s8 =	simm.s32 @!p2 $0x1;
	_ =	swait.ge @!p1 [sflag:s11], $0x3E00  }
0x48: {  	s8 =	simm.s32 @p2 $0x1;
	s21 =	rddreg [dreg:$0x4]  }
0x49: {  	s7 =	sadd.s32 s21, s8  }
0x4a: {  	s8 =	sadd.s32 $0xFFFFFF80, s7  }
0x4b: {  	s7 =	smin.u32 s8, s7  }
0x4c: {  	[sflag:s11] =	ssyncset.done @!p1 $0x0;
	s8 =	sshll.u32 s7, $0x9  }
0x4d: {  	s18 =	simm.s32 $0x8000;
	[sflag:s11] =	ssyncadd.s32 @!p1 $0xFFFFC200;
	s8 =	sshra.s32 s8, $0x2  }
0x4e: {  	[tilespmem:s18], [sflag:$0x2] =	stream.indirect.gather [spmem:s1], $0x80, s8, s14, $0xb8;
	[tilespmem:$0x15A28] =	vst v63  }
0x4f: {  	s20 =	simm.s32 $0x9000;
	s22 =	sor.u32 $0x1F, s8  }
0x50: {  	[tilespmem:s20], [sflag:$0x2] =	stream.indirect.gather [spmem:s1], $0x80, s22, s14, $0xb8;
	[tilespmem:$0x15A28] =	vst v63  }
0x51: {  	s21 =	simm.s32 $0xA000;
	s31 =	sor.u32 $0x3E, s8  }
0x52: {  	[tilespmem:s21], [sflag:$0x2] =	stream.indirect.gather [spmem:s1], $0x80, s31, s14, $0xb8;
	[tilespmem:$0x15A28] =	vst v63  }
0x53: {  	s8 =	sor.u32 $0x5D, s8;
	s22 =	simm.s32 $0xB000  }
0x54: {  	[tilespmem:s22], [sflag:$0x2] =	stream.indirect.gather [spmem:s1], $0x80, s8, s14, $0xb8;
	[tilespmem:$0x15A28] =	vst v63  }
0x55: {  	_ =	swait.ge [sflag:s19], $0xF80  }
0x56: {  	[sflag:s19] =	ssyncset.done $0x0  }
0x57: {  	[sflag:s19] =	ssyncadd.s32 $0xFFFFF080  }
0x58: {  	_ =	swait.ge [sflag:s19], $0xF80  }
0x59: {  	[sflag:s19] =	ssyncset.done $0x0  }
0x5a: {  	[sflag:s19] =	ssyncadd.s32 $0xFFFFF080  }
0x5b: {  	_ =	swait.ge [sflag:s19], $0xF80  }
0x5c: {  	[sflag:s19] =	ssyncset.done $0x0  }
0x5d: {  	s3 =	sshll.u32 s3, $0xE;
	[sflag:s19] =	ssyncadd.s32 $0xFFFFF080  }
0x5e: {  	s3 =	sadd.s32 s6, s3;
	_ =	swait.ge [sflag:s19], $0xF80  }
0x5f: {  	s3 =	sshrl.u32 s3, $0x3;
	[sflag:s19] =	ssyncset.done $0x0  }
0x60: {  	s11 =	sadd.s32 s4, s3;
	[sflag:s19] =	ssyncadd.s32 $0xFFFFF080  }
0x61: {  	[hbm4b:s11+s2] =	stream.linear.scatter [tilespmem:s12], [sflag:$0x5], $0xF80, $0x38;
	[tilespmem:$0x15A28] =	vst v63  }
0x62: {  	s12 =	sadd.s32 $0x200, s11  }
0x63: {  	[hbm4b:s12+s2] =	stream.linear.scatter [tilespmem:s13], [sflag:$0x5], $0xF80, $0x38;
	[tilespmem:$0x15A28] =	vst v63  }
0x64: {  	s9 =	sadd.s32 $0xFFFFFF82, s0;
	s3 =	sadd.s32 $0x2, s0;
	s31 =	sadd.s32 $0x400, s11  }
0x65: {  	[hbm4b:s31+s2] =	stream.linear.scatter [tilespmem:s16], [sflag:$0x5], $0xF80, $0x38;
	[tilespmem:$0x15A28] =	vst v63  }
0x66: {  	p0 =	sgt.u32 s3, $0x7F;
	s8 =	sadd.s32 $0x600, s11;
	s11 =	simm.s32 @!p1 $0x7  }
0x67: {  	[hbm4b:s8+s2] =	stream.linear.scatter [tilespmem:s17], [sflag:$0x5], $0xF80, $0x38;
	[tilespmem:$0x15A28] =	vst v63  }
0x68: {  	s3 =	smov.u32 @p0 s9;
	_ =	swait.ge @!p1 [sflag:s11], $0x3E00  }
0x69: {  	s9 =	sshll.u32 s3, $0x9;
	[sflag:s11] =	ssyncset.done @!p1 $0x0  }
0x6a: {  	s8 =	sshra.s32 s9, $0x2;
	[sflag:s11] =	ssyncadd.s32 @!p1 $0xFFFFC200;
	s11 =	simm.s32 $0xC000  }
0x6b: {  	[tilespmem:s11], [sflag:$0x3] =	stream.indirect.gather [spmem:s1], $0x80, s8, s14, $0xb8;
	[tilespmem:$0x15A28] =	vst v63  }
0x6c: {  	s13 =	simm.s32 $0xD000;
	s12 =	sor.u32 $0x1F, s8  }
0x6d: {  	[tilespmem:s13], [sflag:$0x3] =	stream.indirect.gather [spmem:s1], $0x80, s12, s14, $0xb8;
	[tilespmem:$0x15A28] =	vst v63  }
0x6e: {  	s17 =	simm.s32 $0xE000;
	s16 =	sor.u32 $0x3E, s8  }
0x6f: {  	[tilespmem:s17], [sflag:$0x3] =	stream.indirect.gather [spmem:s1], $0x80, s16, s14, $0xb8;
	[tilespmem:$0x15A28] =	vst v63  }
0x70: {  	s8 =	sor.u32 $0x5D, s8  }
0x71: {  	[tilespmem:s23], [sflag:$0x3] =	stream.indirect.gather [spmem:s1], $0x80, s8, s14, $0xb8;
	[tilespmem:$0x15A28] =	vst v63  }
0x72: {  	_ =	swait.ge [sflag:s29], $0xF80  }
0x73: {  	[sflag:s29] =	ssyncset.done $0x0  }
0x74: {  	[sflag:s29] =	ssyncadd.s32 $0xFFFFF080  }
0x75: {  	_ =	swait.ge [sflag:s29], $0xF80  }
0x76: {  	[sflag:s29] =	ssyncset.done $0x0  }
0x77: {  	[sflag:s29] =	ssyncadd.s32 $0xFFFFF080  }
0x78: {  	_ =	swait.ge [sflag:s29], $0xF80  }
0x79: {  	[sflag:s29] =	ssyncset.done $0x0  }
0x7a: {  	s7 =	sshll.u32 s7, $0xE;
	[sflag:s29] =	ssyncadd.s32 $0xFFFFF080  }
0x7b: {  	s7 =	sadd.s32 s6, s7;
	_ =	swait.ge [sflag:s29], $0xF80  }
0x7c: {  	s7 =	sshrl.u32 s7, $0x3;
	[sflag:s29] =	ssyncset.done $0x0  }
0x7d: {  	s7 =	sadd.s32 s4, s7;
	[sflag:s29] =	ssyncadd.s32 $0xFFFFF080  }
0x7e: {  	[hbm4b:s7+s2] =	stream.linear.scatter [tilespmem:s18], [sflag:$0x6], $0xF80, $0x38;
	[tilespmem:$0x15A28] =	vst v63  }
0x7f: {  	s18 =	sadd.s32 $0x200, s7  }
0x80: {  	[hbm4b:s18+s2] =	stream.linear.scatter [tilespmem:s20], [sflag:$0x6], $0xF80, $0x38;
	[tilespmem:$0x15A28] =	vst v63  }
0x81: {  	s20 =	sadd.s32 $0x400, s7  }
0x82: {  	[hbm4b:s20+s2] =	stream.linear.scatter [tilespmem:s21], [sflag:$0x6], $0xF80, $0x38;
	[tilespmem:$0x15A28] =	vst v63  }
0x83: {  	s8 =	simm.s32 @!p1 $0x8;
	s7 =	sadd.s32 $0x600, s7  }
0x84: {  	[hbm4b:s7+s2] =	stream.linear.scatter [tilespmem:s22], [sflag:$0x6], $0xF80, $0x38;
	[tilespmem:$0x15A28] =	vst v63  }
0x85: {  	s0 =	sadd.s32 $0x3, s0;
	_ =	swait.ge @!p1 [sflag:s8], $0x3E00  }
0x86: {  	p5 =	sgt.u32 s0, $0x7F;
	s16 =	rddreg [dreg:$0xb]  }
0x87: {  	p0 =	por p5, p5;
	[sflag:s8] =	ssyncset.done @!p1 $0x0;
	s0 =	sadd.s32 $0x4000, s16  }
0x88: {  	s22 =	simm.s32 $0x10000;
	[sflag:s8] =	ssyncadd.s32 @!p1 $0xFFFFC200;
	s0 =	smov.u32 @p0 s16  }
0x89: {  	[tilespmem:s22], [sflag:$0x4] =	stream.indirect.gather [spmem:s1], $0x80, s0, s14, $0xb8;
	[tilespmem:$0x15A28] =	vst v63  }
0x8a: {  	s31 =	simm.s32 $0x11000;
	s23 =	sadd.s32 $0x1F, s0  }
0x8b: {  	[tilespmem:s31], [sflag:$0x4] =	stream.indirect.gather [spmem:s1], $0x80, s23, s14, $0xb8;
	[tilespmem:$0x15A28] =	vst v63  }
0x8c: {  	s12 =	simm.s32 $0x12000;
	s9 =	sadd.s32 $0x3E, s0  }
0x8d: {  	[tilespmem:s12], [sflag:$0x4] =	stream.indirect.gather [spmem:s1], $0x80, s9, s14, $0xb8;
	[tilespmem:$0x15A28] =	vst v63  }
0x8e: {  	s30 =	sadd.s32 $0x4, s10;
	s0 =	sadd.s32 $0x5D, s0  }
0x8f: {  	[tilespmem:s28], [sflag:$0x4] =	stream.indirect.gather [spmem:s1], $0x80, s0, s14, $0xb8;
	[tilespmem:$0x15A28] =	vst v63  }
0x90: {  	s18 =	sshll.u32 s3, $0xE;
	s20 =	sadd.s32 $0x3, s30;
	_ =	swait.ge [sflag:s5], $0xF80  }
0x91: {  	p6 =	sgt.u32 s20, $0x7F;
	s20 =	sadd.s32 $0x2000, s15;
	[sflag:s5] =	ssyncset.done $0x0  }
0x92: {  	s8 =	sadd.s32 $0xFFFFFF82, s30;
	p0 =	por $0x0, $0x0;
	[sflag:s5] =	ssyncadd.s32 $0xFFFFF080  }
0x93: {  	s3 =	sadd.s32 @!p0 $0x4, s10;
	s7 =	simm.s32 @!p0 $0x5;
	_ =	swait.ge [sflag:s5], $0xF80  }
0x94: {  	s3 =	sadd.s32 @!p0 $0xFFFFFFFF, s3;
	s7 =	simm.s32 @p0 $0x1;
	[sflag:s5] =	ssyncset.done $0x0  }
0x95: {  	p1 =	sgt.s32 @!p0 s3, $0x7F;
	s3 =	sadd.s32 $0x2, s30;
	[sflag:s5] =	ssyncadd.s32 $0xFFFFF080  }
0x96: {  	p1 =	por !p1, p0;
	p2 =	sgt.u32 s3, $0x7F;
	_ =	swait.ge [sflag:s5], $0xF80  }
0x97: {  	s12 =	simm.s32 $0x8;
	s3 =	smov.u32 @p2 s8;
	[sflag:s5] =	ssyncset.done $0x0  }
0x98: {  	p3 =	por p1, p1;
	p1 =	por p0, p0;
	[sflag:s5] =	ssyncadd.s32 $0xFFFFF080  }
0x99: {  	p2 =	por p6, p6;
	s0 =	sadd.s32 s6, s18;
	_ =	swait.ge [sflag:s5], $0xF80  }
0x9a: {  	s9 =	sadd.s32 $0x200, s16;
	s0 =	sshrl.u32 s0, $0x3;
	[sflag:s5] =	ssyncset.done $0x0  }
0x9b: {  	s21 =	sshll.u32 s3, $0xE;
	s0 =	sadd.s32 s4, s0;
	[sflag:s5] =	ssyncadd.s32 $0xFFFFF080  }
0x9c: {  	[hbm4b:s0+s2] =	stream.linear.scatter [tilespmem:s11], [sflag:$0x7], $0xF80, $0x38;
	[tilespmem:$0x15A28] =	vst v63  }
0x9d: {  	s22 =	sadd.s32 s6, s21;
	s23 =	sadd.s32 $0x200, s0;
	s31 =	sadd.s32 $0x400, s0  }
0x9e: {  	[hbm4b:s23+s2] =	stream.linear.scatter [tilespmem:s13], [sflag:$0x7], $0xF80, $0x38;
	[tilespmem:$0x15A28] =	vst v63  }
0x9f: {  	s11 =	sshll.u32 s3, $0x9;
	s0 =	sadd.s32 $0x600, s0;
	s13 =	sshrl.u32 s22, $0x3  }
0xa0: {  	[hbm4b:s31+s2] =	stream.linear.scatter [tilespmem:s17], [sflag:$0x7], $0xF80, $0x38;
	[tilespmem:$0x15A28] =	vst v63  }
.LBB2_2:
0xa1: {  	[hbm4b:s0+s2] =	stream.linear.scatter [tilespmem:s26], [sflag:$0x7], $0xF80, $0x38;
	[tilespmem:$0x15A28] =	vst v63  }
0xa2: {  	s0 =	simm.s32 @!p1 $0x5;
	s15 =	sadd.s32 $0xFFFFFF80, s30  }
0xa3: {  	_ =	swait.ge @!p1 [sflag:s0], $0x3E00;
	s15 =	smin.u32 s15, s30  }
0xa4: {  	[sflag:s0] =	ssyncset.done @!p1 $0x0;
	s30 =	sshll.u32 s15, $0x9  }
0xa5: {  	s21 =	simm.s32 $0x4000;
	[sflag:s0] =	ssyncadd.s32 @!p1 $0xFFFFC200;
	s30 =	sshra.s32 s30, $0x2  }
0xa6: {  	[tilespmem:s21], [sflag:$0x1] =	stream.indirect.gather [spmem:s1], $0x80, s30, s14, $0xb8;
	[tilespmem:$0x15A28] =	vst v63  }
0xa7: {  	s22 =	simm.s32 $0x5000;
	s16 =	sor.u32 $0x1F, s30  }
0xa8: {  	[tilespmem:s22], [sflag:$0x1] =	stream.indirect.gather [spmem:s1], $0x80, s16, s14, $0xb8;
	[tilespmem:$0x15A28] =	vst v63  }
0xa9: {  	s3 =	smov.u32 s12;
	s23 =	simm.s32 $0x6000;
	s17 =	sor.u32 $0x3E, s30  }
0xaa: {  	[tilespmem:s23], [sflag:$0x1] =	stream.indirect.gather [spmem:s1], $0x80, s17, s14, $0xb8;
	[tilespmem:$0x15A28] =	vst v63  }
0xab: {  	s31 =	sadd.s32 s12, s10;
	s18 =	sor.u32 $0x5D, s30;
	s16 =	simm.s32 @!p1 $0x4  }
0xac: {  	[tilespmem:s24], [sflag:$0x1] =	stream.indirect.gather [spmem:s1], $0x80, s18, s14, $0xb8;
	[tilespmem:$0x15A28] =	vst v63  }
0xad: {  	p5 =	seq.s32 s12, $0x0;
	s15 =	sshll.u32 s15, $0xE;
	_ =	swait.ge @!p1 [sflag:s16], $0xF80  }
0xae: {  	s8 =	sadd.s32 s6, s15;
	s15 =	sadd.s32 @!p5 s12, s10;
	[sflag:s16] =	ssyncset.done @!p1 $0x0  }
0xaf: {  	s15 =	sadd.s32 @!p5 $0xFFFFFFFF, s15;
	s30 =	sadd.s32 $0x2, s31;
	[sflag:s16] =	ssyncadd.s32 @!p1 $0xFFFFF080  }
0xb0: {  	p0 =	sgt.s32 @!p5 s15, $0x7F;
	s15 =	sadd.s32 @!p5 $0x1, s3;
	_ =	swait.ge @!p1 [sflag:s16], $0xF80  }
0xb1: {  	p4 =	sgt.u32 s30, $0x7F;
	s3 =	sadd.s32 $0xFFFFFF82, s31;
	[sflag:s16] =	ssyncset.done @!p1 $0x0  }
0xb2: {  	s0 =	sshrl.u32 s8, $0x3;
	s30 =	smov.u32 @p4 s3;
	[sflag:s16] =	ssyncadd.s32 @!p1 $0xFFFFF080  }
0xb3: {  	s3 =	sshll.u32 s30, $0x9;
	s8 =	sshll.u32 s30, $0xE;
	_ =	swait.ge @!p1 [sflag:s16], $0xF80  }
0xb4: {  	s30 =	smov.u32 s31;
	s17 =	sadd.s32 $0x3, s31;
	[sflag:s16] =	ssyncset.done @!p1 $0x0  }
0xb5: {  	p6 =	sgt.u32 s17, $0x7F;
	s17 =	sadd.s32 s6, s8;
	[sflag:s16] =	ssyncadd.s32 @!p1 $0xFFFFF080  }
0xb6: {  	s8 =	smov.u32 s20;
	s18 =	sadd.s32 @!p1 $0xE0040000, s20;
	_ =	swait.ge @!p1 [sflag:s16], $0xF80  }
0xb7: {  	s31 =	sshrl.u32 s17, $0x3;
	s8 =	smov.u32 @p3 s18;
	s17 =	rddreg [dreg:$0x5]  }
0xb8: {  	s8 =	sadd.s32 @!p1 s17, s8  }
0xb9: {  	[sflag:s16] =	ssyncset.done @!p1 $0x0;
	s17 =	simm.s32 @!p1 $0x10000;
	s8 =	sand.u32 @!p1 $0x1FFFF800, s8  }
0xba: {  	[sflag:s16] =	ssyncadd.s32 @!p1 $0xFFFFF080;
	s16 =	simm.s32 @!p1 $0x0;
	s8 =	sadd.s32 @!p1 s4, s8  }
0xbb: {  	[hbm4b:s8+s16] =	stream.linear.scatter @!p1 [tilespmem:s17], [sflag:$0x8], $0xF80, $0x38;
	[tilespmem:$0x15A28] =	vst v63  }
0xbc: {  	s18 =	simm.s32 @!p1 $0x11000;
	s17 =	sadd.s32 @!p1 $0x200, s8  }
0xbd: {  	[hbm4b:s17+s16] =	stream.linear.scatter @!p1 [tilespmem:s18], [sflag:$0x8], $0xF80, $0x38;
	[tilespmem:$0x15A28] =	vst v63  }
0xbe: {  	s17 =	sadd.s32 @!p1 $0x400, s8;
	s18 =	simm.s32 @!p1 $0x12000  }
0xbf: {  	[hbm4b:s17+s16] =	stream.linear.scatter @!p1 [tilespmem:s18], [sflag:$0x8], $0xF80, $0x38;
	[tilespmem:$0x15A28] =	vst v63  }
0xc0: {  	s8 =	sadd.s32 @!p1 $0x600, s8;
	s17 =	simm.s32 @!p1 $0x13000;
	s18 =	simm.s32 @!p1 $0x6  }
0xc1: {  	[hbm4b:s8+s16] =	stream.linear.scatter @!p1 [tilespmem:s17], [sflag:$0x8], $0xF80, $0x38;
	[tilespmem:$0x15A28] =	vst v63  }
0xc2: {  	_ =	swait.ge @!p1 [sflag:s18], $0x3E00  }
0xc3: {  	s16 =	rddreg [dreg:$0x4]  }
0xc4: {  	s8 =	sadd.s32 s16, s7  }
0xc5: {  	s17 =	sadd.s32 $0xFFFFFF80, s8  }
0xc6: {  	s15 =	simm.s32 @p5 $0x1;
	[sflag:s18] =	ssyncset.done @!p1 $0x0;
	s8 =	smin.u32 s17, s8  }
0xc7: {  	s7 =	smov.u32 s15;
	[sflag:s18] =	ssyncadd.s32 @!p1 $0xFFFFC200;
	s15 =	sshll.u32 s8, $0x9  }
0xc8: {  	s18 =	simm.s32 $0x8000;
	s8 =	sshll.u32 s8, $0xE;
	s16 =	sshra.s32 s15, $0x2  }
0xc9: {  	[tilespmem:s18], [sflag:$0x2] =	stream.indirect.gather [spmem:s1], $0x80, s16, s14, $0xb8;
	[tilespmem:$0x15A28] =	vst v63  }
0xca: {  	s8 =	sadd.s32 s6, s8;
	s17 =	sor.u32 $0x1F, s16  }
0xcb: {  	[tilespmem:s25], [sflag:$0x2] =	stream.indirect.gather [spmem:s1], $0x80, s17, s14, $0xb8;
	[tilespmem:$0x15A28] =	vst v63  }
0xcc: {  	s15 =	sshrl.u32 s8, $0x3;
	s8 =	sor.u32 $0x3E, s16;
	s17 =	simm.s32 $0xA000  }
0xcd: {  	[tilespmem:s17], [sflag:$0x2] =	stream.indirect.gather [spmem:s1], $0x80, s8, s14, $0xb8;
	[tilespmem:$0x15A28] =	vst v63  }
0xce: {  	s8 =	sor.u32 $0x5D, s16;
	s16 =	simm.s32 $0xB000  }
0xcf: {  	[tilespmem:s16], [sflag:$0x2] =	stream.indirect.gather [spmem:s1], $0x80, s8, s14, $0xb8;
	[tilespmem:$0x15A28] =	vst v63  }
0xd0: {  	_ =	swait.ge [sflag:s19], $0xF80  }
0xd1: {  	[sflag:s19] =	ssyncset.done $0x0  }
0xd2: {  	[sflag:s19] =	ssyncadd.s32 $0xFFFFF080  }
0xd3: {  	_ =	swait.ge [sflag:s19], $0xF80  }
0xd4: {  	[sflag:s19] =	ssyncset.done $0x0  }
0xd5: {  	[sflag:s19] =	ssyncadd.s32 $0xFFFFF080  }
0xd6: {  	_ =	swait.ge [sflag:s19], $0xF80  }
0xd7: {  	[sflag:s19] =	ssyncset.done $0x0  }
0xd8: {  	[sflag:s19] =	ssyncadd.s32 $0xFFFFF080  }
0xd9: {  	_ =	swait.ge [sflag:s19], $0xF80  }
0xda: {  	[sflag:s19] =	ssyncset.done $0x0  }
0xdb: {  	s0 =	sadd.s32 s4, s0;
	[sflag:s19] =	ssyncadd.s32 $0xFFFFF080  }
0xdc: {  	[hbm4b:s0+s2] =	stream.linear.scatter [tilespmem:s21], [sflag:$0x5], $0xF80, $0x38;
	[tilespmem:$0x15A28] =	vst v63  }
0xdd: {  	s21 =	sadd.s32 $0x200, s0  }
0xde: {  	[hbm4b:s21+s2] =	stream.linear.scatter [tilespmem:s22], [sflag:$0x5], $0xF80, $0x38;
	[tilespmem:$0x15A28] =	vst v63  }
0xdf: {  	s21 =	sadd.s32 $0x400, s0  }
0xe0: {  	[hbm4b:s21+s2] =	stream.linear.scatter [tilespmem:s23], [sflag:$0x5], $0xF80, $0x38;
	[tilespmem:$0x15A28] =	vst v63  }
0xe1: {  	s8 =	simm.s32 @!p1 $0x7;
	s0 =	sadd.s32 $0x600, s0  }
0xe2: {  	[hbm4b:s0+s2] =	stream.linear.scatter [tilespmem:s24], [sflag:$0x5], $0xF80, $0x38;
	[tilespmem:$0x15A28] =	vst v63  }
0xe3: {  	_ =	swait.ge @!p1 [sflag:s8], $0x3E00  }
0xe4: {  	[sflag:s8] =	ssyncset.done @!p1 $0x0  }
0xe5: {  	s0 =	sshra.s32 s11, $0x2;
	[sflag:s8] =	ssyncadd.s32 @!p1 $0xFFFFC200;
	s8 =	simm.s32 $0xC000  }
0xe6: {  	[tilespmem:s8], [sflag:$0x3] =	stream.indirect.gather [spmem:s1], $0x80, s0, s14, $0xb8;
	[tilespmem:$0x15A28] =	vst v63  }
0xe7: {  	s21 =	simm.s32 $0xD000;
	s22 =	sor.u32 $0x1F, s0  }
0xe8: {  	[tilespmem:s21], [sflag:$0x3] =	stream.indirect.gather [spmem:s1], $0x80, s22, s14, $0xb8;
	[tilespmem:$0x15A28] =	vst v63  }
0xe9: {  	s23 =	sor.u32 $0x3E, s0;
	s22 =	simm.s32 $0xE000  }
0xea: {  	[tilespmem:s22], [sflag:$0x3] =	stream.indirect.gather [spmem:s1], $0x80, s23, s14, $0xb8;
	[tilespmem:$0x15A28] =	vst v63  }
0xeb: {  	s0 =	sor.u32 $0x5D, s0  }
0xec: {  	[tilespmem:s26], [sflag:$0x3] =	stream.indirect.gather [spmem:s1], $0x80, s0, s14, $0xb8;
	[tilespmem:$0x15A28] =	vst v63  }
0xed: {  	_ =	swait.ge [sflag:s29], $0xF80  }
0xee: {  	[sflag:s29] =	ssyncset.done $0x0  }
0xef: {  	[sflag:s29] =	ssyncadd.s32 $0xFFFFF080  }
0xf0: {  	_ =	swait.ge [sflag:s29], $0xF80  }
0xf1: {  	[sflag:s29] =	ssyncset.done $0x0  }
0xf2: {  	[sflag:s29] =	ssyncadd.s32 $0xFFFFF080  }
0xf3: {  	_ =	swait.ge [sflag:s29], $0xF80  }
0xf4: {  	[sflag:s29] =	ssyncset.done $0x0  }
0xf5: {  	[sflag:s29] =	ssyncadd.s32 $0xFFFFF080  }
0xf6: {  	_ =	swait.ge [sflag:s29], $0xF80  }
0xf7: {  	[sflag:s29] =	ssyncset.done $0x0  }
0xf8: {  	s0 =	sadd.s32 s4, s15;
	[sflag:s29] =	ssyncadd.s32 $0xFFFFF080  }
0xf9: {  	[hbm4b:s0+s2] =	stream.linear.scatter [tilespmem:s18], [sflag:$0x6], $0xF80, $0x38;
	[tilespmem:$0x15A28] =	vst v63  }
0xfa: {  	s23 =	sadd.s32 $0x200, s0  }
0xfb: {  	[hbm4b:s23+s2] =	stream.linear.scatter [tilespmem:s25], [sflag:$0x6], $0xF80, $0x38;
	[tilespmem:$0x15A28] =	vst v63  }
0xfc: {  	s15 =	sadd.s32 $0x400, s0  }
0xfd: {  	[hbm4b:s15+s2] =	stream.linear.scatter [tilespmem:s17], [sflag:$0x6], $0xF80, $0x38;
	[tilespmem:$0x15A28] =	vst v63  }
0xfe: {  	s11 =	smov.u32 s3;
	s3 =	simm.s32 @!p1 $0x8;
	s0 =	sadd.s32 $0x600, s0  }
0xff: {  	[hbm4b:s0+s2] =	stream.linear.scatter [tilespmem:s16], [sflag:$0x6], $0xF80, $0x38;
	[tilespmem:$0x15A28] =	vst v63  }
0x100: {  	_ =	swait.ge @!p1 [sflag:s3], $0x3E00  }
0x101: {  	s0 =	sadd.s32 $0x4000, s9;
	[sflag:s3] =	ssyncset.done @!p1 $0x0  }
0x102: {  	s17 =	simm.s32 $0x10000;
	s0 =	smov.u32 @p2 s9;
	[sflag:s3] =	ssyncadd.s32 @!p1 $0xFFFFC200  }
0x103: {  	[tilespmem:s17], [sflag:$0x4] =	stream.indirect.gather [spmem:s1], $0x80, s0, s14, $0xb8;
	[tilespmem:$0x15A28] =	vst v63  }
0x104: {  	s23 =	simm.s32 $0x11000;
	s18 =	sadd.s32 $0x1F, s0  }
0x105: {  	[tilespmem:s23], [sflag:$0x4] =	stream.indirect.gather [spmem:s1], $0x80, s18, s14, $0xb8;
	[tilespmem:$0x15A28] =	vst v63  }
0x106: {  	s16 =	sadd.s32 $0x3E, s0;
	s17 =	simm.s32 $0x12000  }
0x107: {  	[tilespmem:s17], [sflag:$0x4] =	stream.indirect.gather [spmem:s1], $0x80, s16, s14, $0xb8;
	[tilespmem:$0x15A28] =	vst v63  }
0x108: {  	s0 =	sadd.s32 $0x5D, s0  }
0x109: {  	[tilespmem:s28], [sflag:$0x4] =	stream.indirect.gather [spmem:s1], $0x80, s0, s14, $0xb8;
	[tilespmem:$0x15A28] =	vst v63  }
0x10a: {  	_ =	swait.ge [sflag:s5], $0xF80  }
0x10b: {  	[sflag:s5] =	ssyncset.done $0x0  }
0x10c: {  	[sflag:s5] =	ssyncadd.s32 $0xFFFFF080  }
0x10d: {  	_ =	swait.ge [sflag:s5], $0xF80  }
0x10e: {  	[sflag:s5] =	ssyncset.done $0x0  }
0x10f: {  	[sflag:s5] =	ssyncadd.s32 $0xFFFFF080  }
0x110: {  	_ =	swait.ge [sflag:s5], $0xF80  }
0x111: {  	[sflag:s5] =	ssyncset.done $0x0  }
0x112: {  	[sflag:s5] =	ssyncadd.s32 $0xFFFFF080  }
0x113: {  	s12 =	sadd.s32 $0x4, s12;
	_ =	swait.ge [sflag:s5], $0xF80  }
0x114: {  	p0 =	por !p0, p5;
	p4 =	sne.s32 s12, $0x80;
	[sflag:s5] =	ssyncset.done $0x0  }
0x115: {  	s20 =	sadd.s32 $0x2000, s20;
	s18 =	sadd.s32 s4, s13;
	[sflag:s5] =	ssyncadd.s32 $0xFFFFF080  }
0x116: {  	[hbm4b:s18+s2] =	stream.linear.scatter [tilespmem:s8], [sflag:$0x7], $0xF80, $0x38;
	[tilespmem:$0x15A28] =	vst v63  }
.Ltmp0:
0x117: {  	p3 =	por p0, p0;
	p2 =	por p6, p6;
	(pc) =	sbr.rel @p4 .LBB2_2-.Ltmp0, $4  }
0x118: {  	s9 =	sadd.s32 $0x200, s9;
	p1 =	por p5, p5;
	s23 =	sadd.s32 $0x200, s18  }
0x119: {  	[hbm4b:s23+s2] =	stream.linear.scatter [tilespmem:s21], [sflag:$0x7], $0xF80, $0x38;
	[tilespmem:$0x15A28] =	vst v63  }
0x11a: {  	s13 =	smov.u32 s31;
	s31 =	sadd.s32 $0x400, s18;
	s0 =	sadd.s32 $0x600, s18  }
0x11b: {  	[hbm4b:s31+s2] =	stream.linear.scatter [tilespmem:s22], [sflag:$0x7], $0xF80, $0x38;
	[tilespmem:$0x15A28] =	vst v63  }
0x11c: {  	s22 =	simm.s32 $0xF000;
	s3 =	simm.s32 @!p1 $0x5;
	s12 =	sadd.s32 $0xFFFFFF80, s30  }
0x11d: {  	[hbm4b:s0+s2] =	stream.linear.scatter [tilespmem:s22], [sflag:$0x7], $0xF80, $0x38;
	[tilespmem:$0x15A28] =	vst v63  }
0x11e: {  	s0 =	smin.u32 s12, s30;
	_ =	swait.ge @!p1 [sflag:s3], $0x3E00  }
0x11f: {  	s8 =	sshll.u32 s0, $0x9;
	[sflag:s3] =	ssyncset.done @!p1 $0x0  }
0x120: {  	s16 =	simm.s32 $0x4000;
	s15 =	sshra.s32 s8, $0x2;
	[sflag:s3] =	ssyncadd.s32 @!p1 $0xFFFFC200  }
0x121: {  	[tilespmem:s16], [sflag:$0x1] =	stream.indirect.gather [spmem:s1], $0x80, s15, s14, $0xb8;
	[tilespmem:$0x15A28] =	vst v63  }
0x122: {  	s17 =	simm.s32 $0x5000;
	s8 =	sor.u32 $0x1F, s15  }
0x123: {  	[tilespmem:s17], [sflag:$0x1] =	stream.indirect.gather [spmem:s1], $0x80, s8, s14, $0xb8;
	[tilespmem:$0x15A28] =	vst v63  }
0x124: {  	s18 =	simm.s32 $0x6000;
	s21 =	sor.u32 $0x3E, s15  }
0x125: {  	[tilespmem:s18], [sflag:$0x1] =	stream.indirect.gather [spmem:s1], $0x80, s21, s14, $0xb8;
	[tilespmem:$0x15A28] =	vst v63  }
0x126: {  	s3 =	sor.u32 $0x5D, s15;
	s8 =	simm.s32 @!p1 $0x4;
	s21 =	simm.s32 $0x7000  }
0x127: {  	[tilespmem:s21], [sflag:$0x1] =	stream.indirect.gather [spmem:s1], $0x80, s3, s14, $0xb8;
	[tilespmem:$0x15A28] =	vst v63  }
0x128: {  	_ =	swait.ge @!p1 [sflag:s8], $0xF80  }
0x129: {  	[sflag:s8] =	ssyncset.done @!p1 $0x0  }
0x12a: {  	[sflag:s8] =	ssyncadd.s32 @!p1 $0xFFFFF080  }
0x12b: {  	_ =	swait.ge @!p1 [sflag:s8], $0xF80  }
0x12c: {  	[sflag:s8] =	ssyncset.done @!p1 $0x0  }
0x12d: {  	[sflag:s8] =	ssyncadd.s32 @!p1 $0xFFFFF080  }
0x12e: {  	_ =	swait.ge @!p1 [sflag:s8], $0xF80  }
0x12f: {  	[sflag:s8] =	ssyncset.done @!p1 $0x0  }
0x130: {  	[sflag:s8] =	ssyncadd.s32 @!p1 $0xFFFFF080  }
0x131: {  	s12 =	sadd.s32 @!p1 $0xE0040000, s20;
	_ =	swait.ge @!p1 [sflag:s8], $0xF80  }
0x132: {  	s20 =	smov.u32 @p3 s12;
	s3 =	rddreg [dreg:$0x5]  }
0x133: {  	s3 =	sadd.s32 @!p1 s3, s20  }
0x134: {  	s12 =	simm.s32 @!p1 $0x10000;
	[sflag:s8] =	ssyncset.done @!p1 $0x0;
	s3 =	sand.u32 @!p1 $0x1FFFF800, s3  }
0x135: {  	[sflag:s8] =	ssyncadd.s32 @!p1 $0xFFFFF080;
	s8 =	simm.s32 @!p1 $0x0;
	s3 =	sadd.s32 @!p1 s4, s3  }
0x136: {  	[hbm4b:s3+s8] =	stream.linear.scatter @!p1 [tilespmem:s12], [sflag:$0x8], $0xF80, $0x38;
	[tilespmem:$0x15A28] =	vst v63  }
0x137: {  	s15 =	simm.s32 @!p1 $0x11000;
	s12 =	sadd.s32 @!p1 $0x200, s3  }
0x138: {  	[hbm4b:s12+s8] =	stream.linear.scatter @!p1 [tilespmem:s15], [sflag:$0x8], $0xF80, $0x38;
	[tilespmem:$0x15A28] =	vst v63  }
0x139: {  	s12 =	sadd.s32 @!p1 $0x400, s3;
	s15 =	simm.s32 @!p1 $0x12000  }
0x13a: {  	[hbm4b:s12+s8] =	stream.linear.scatter @!p1 [tilespmem:s15], [sflag:$0x8], $0xF80, $0x38;
	[tilespmem:$0x15A28] =	vst v63  }
0x13b: {  	s3 =	sadd.s32 @!p1 $0x600, s3;
	s12 =	simm.s32 @!p1 $0x13000  }
0x13c: {  	[hbm4b:s3+s8] =	stream.linear.scatter @!p1 [tilespmem:s12], [sflag:$0x8], $0xF80, $0x38;
	[tilespmem:$0x15A28] =	vst v63  }
0x13d: {  	s3 =	simm.s32 @!p1 $0x6  }
0x13e: {  	_ =	swait.ge @!p1 [sflag:s3], $0x3E00  }
0x13f: {  	s23 =	rddreg [dreg:$0x4]  }
0x140: {  	s7 =	sadd.s32 s23, s7  }
0x141: {  	s8 =	sadd.s32 $0xFFFFFF80, s7  }
0x142: {  	s7 =	smin.u32 s8, s7  }
0x143: {  	[sflag:s3] =	ssyncset.done @!p1 $0x0;
	s8 =	sshll.u32 s7, $0x9  }
0x144: {  	s12 =	simm.s32 $0x8000;
	[sflag:s3] =	ssyncadd.s32 @!p1 $0xFFFFC200;
	s30 =	sshra.s32 s8, $0x2  }
0x145: {  	[tilespmem:s12], [sflag:$0x2] =	stream.indirect.gather [spmem:s1], $0x80, s30, s14, $0xb8;
	[tilespmem:$0x15A28] =	vst v63  }
0x146: {  	s15 =	simm.s32 $0x9000;
	s8 =	sor.u32 $0x1F, s30  }
0x147: {  	[tilespmem:s15], [sflag:$0x2] =	stream.indirect.gather [spmem:s1], $0x80, s8, s14, $0xb8;
	[tilespmem:$0x15A28] =	vst v63  }
0x148: {  	s20 =	simm.s32 $0xA000;
	s31 =	sor.u32 $0x3E, s30  }
0x149: {  	[tilespmem:s20], [sflag:$0x2] =	stream.indirect.gather [spmem:s1], $0x80, s31, s14, $0xb8;
	[tilespmem:$0x15A28] =	vst v63  }
0x14a: {  	s3 =	sor.u32 $0x5D, s30;
	s8 =	simm.s32 $0xB000  }
0x14b: {  	[tilespmem:s8], [sflag:$0x2] =	stream.indirect.gather [spmem:s1], $0x80, s3, s14, $0xb8;
	[tilespmem:$0x15A28] =	vst v63  }
0x14c: {  	_ =	swait.ge [sflag:s19], $0xF80  }
0x14d: {  	[sflag:s19] =	ssyncset.done $0x0  }
0x14e: {  	[sflag:s19] =	ssyncadd.s32 $0xFFFFF080  }
0x14f: {  	_ =	swait.ge [sflag:s19], $0xF80  }
0x150: {  	[sflag:s19] =	ssyncset.done $0x0  }
0x151: {  	[sflag:s19] =	ssyncadd.s32 $0xFFFFF080  }
0x152: {  	_ =	swait.ge [sflag:s19], $0xF80  }
0x153: {  	[sflag:s19] =	ssyncset.done $0x0  }
0x154: {  	s0 =	sshll.u32 s0, $0xE;
	[sflag:s19] =	ssyncadd.s32 $0xFFFFF080  }
0x155: {  	s0 =	sadd.s32 s6, s0;
	_ =	swait.ge [sflag:s19], $0xF80  }
0x156: {  	s0 =	sshrl.u32 s0, $0x3;
	[sflag:s19] =	ssyncset.done $0x0  }
0x157: {  	s0 =	sadd.s32 s4, s0;
	[sflag:s19] =	ssyncadd.s32 $0xFFFFF080  }
0x158: {  	[hbm4b:s0+s2] =	stream.linear.scatter [tilespmem:s16], [sflag:$0x5], $0xF80, $0x38;
	[tilespmem:$0x15A28] =	vst v63  }
0x159: {  	s16 =	sadd.s32 $0x200, s0  }
0x15a: {  	[hbm4b:s16+s2] =	stream.linear.scatter [tilespmem:s17], [sflag:$0x5], $0xF80, $0x38;
	[tilespmem:$0x15A28] =	vst v63  }
0x15b: {  	s17 =	sadd.s32 $0x400, s0  }
0x15c: {  	[hbm4b:s17+s2] =	stream.linear.scatter [tilespmem:s18], [sflag:$0x5], $0xF80, $0x38;
	[tilespmem:$0x15A28] =	vst v63  }
0x15d: {  	s0 =	sadd.s32 $0x600, s0  }
0x15e: {  	[hbm4b:s0+s2] =	stream.linear.scatter [tilespmem:s21], [sflag:$0x5], $0xF80, $0x38;
	[tilespmem:$0x15A28] =	vst v63  }
0x15f: {  	s0 =	simm.s32 @!p1 $0x7  }
0x160: {  	_ =	swait.ge @!p1 [sflag:s0], $0x3E00  }
0x161: {  	[sflag:s0] =	ssyncset.done @!p1 $0x0  }
0x162: {  	s18 =	sshra.s32 s11, $0x2;
	s11 =	simm.s32 $0xC000;
	[sflag:s0] =	ssyncadd.s32 @!p1 $0xFFFFC200  }
0x163: {  	[tilespmem:s11], [sflag:$0x3] =	stream.indirect.gather [spmem:s1], $0x80, s18, s14, $0xb8;
	[tilespmem:$0x15A28] =	vst v63  }
0x164: {  	s16 =	simm.s32 $0xD000;
	s21 =	sor.u32 $0x1F, s18  }
0x165: {  	[tilespmem:s16], [sflag:$0x3] =	stream.indirect.gather [spmem:s1], $0x80, s21, s14, $0xb8;
	[tilespmem:$0x15A28] =	vst v63  }
0x166: {  	s17 =	simm.s32 $0xE000;
	s23 =	sor.u32 $0x3E, s18  }
0x167: {  	[tilespmem:s17], [sflag:$0x3] =	stream.indirect.gather [spmem:s1], $0x80, s23, s14, $0xb8;
	[tilespmem:$0x15A28] =	vst v63  }
0x168: {  	s0 =	sor.u32 $0x5D, s18  }
0x169: {  	[tilespmem:s22], [sflag:$0x3] =	stream.indirect.gather [spmem:s1], $0x80, s0, s14, $0xb8;
	[tilespmem:$0x15A28] =	vst v63  }
0x16a: {  	_ =	swait.ge [sflag:s29], $0xF80  }
0x16b: {  	[sflag:s29] =	ssyncset.done $0x0  }
0x16c: {  	[sflag:s29] =	ssyncadd.s32 $0xFFFFF080  }
0x16d: {  	_ =	swait.ge [sflag:s29], $0xF80  }
0x16e: {  	[sflag:s29] =	ssyncset.done $0x0  }
0x16f: {  	[sflag:s29] =	ssyncadd.s32 $0xFFFFF080  }
0x170: {  	_ =	swait.ge [sflag:s29], $0xF80  }
0x171: {  	[sflag:s29] =	ssyncset.done $0x0  }
0x172: {  	s30 =	sshll.u32 s7, $0xE;
	[sflag:s29] =	ssyncadd.s32 $0xFFFFF080  }
0x173: {  	s0 =	sadd.s32 s6, s30;
	_ =	swait.ge [sflag:s29], $0xF80  }
0x174: {  	s0 =	sshrl.u32 s0, $0x3;
	[sflag:s29] =	ssyncset.done $0x0  }
0x175: {  	s0 =	sadd.s32 s4, s0;
	[sflag:s29] =	ssyncadd.s32 $0xFFFFF080  }
0x176: {  	[hbm4b:s0+s2] =	stream.linear.scatter [tilespmem:s12], [sflag:$0x6], $0xF80, $0x38;
	[tilespmem:$0x15A28] =	vst v63  }
0x177: {  	s31 =	sadd.s32 $0x200, s0  }
0x178: {  	[hbm4b:s31+s2] =	stream.linear.scatter [tilespmem:s15], [sflag:$0x6], $0xF80, $0x38;
	[tilespmem:$0x15A28] =	vst v63  }
0x179: {  	s7 =	sadd.s32 $0x400, s0  }
0x17a: {  	[hbm4b:s7+s2] =	stream.linear.scatter [tilespmem:s20], [sflag:$0x6], $0xF80, $0x38;
	[tilespmem:$0x15A28] =	vst v63  }
0x17b: {  	s3 =	simm.s32 @!p1 $0x8;
	s0 =	sadd.s32 $0x600, s0  }
0x17c: {  	[hbm4b:s0+s2] =	stream.linear.scatter [tilespmem:s8], [sflag:$0x6], $0xF80, $0x38;
	[tilespmem:$0x15A28] =	vst v63  }
0x17d: {  	_ =	swait.ge @!p1 [sflag:s3], $0x3E00  }
0x17e: {  	s0 =	sadd.s32 $0x4000, s9;
	[sflag:s3] =	ssyncset.done @!p1 $0x0  }
0x17f: {  	s8 =	simm.s32 $0x10000;
	s0 =	smov.u32 @p2 s9;
	[sflag:s3] =	ssyncadd.s32 @!p1 $0xFFFFC200  }
0x180: {  	[tilespmem:s8], [sflag:$0x4] =	stream.indirect.gather [spmem:s1], $0x80, s0, s14, $0xb8;
	[tilespmem:$0x15A28] =	vst v63  }
0x181: {  	s12 =	simm.s32 $0x11000;
	s9 =	sadd.s32 $0x1F, s0  }
0x182: {  	[tilespmem:s12], [sflag:$0x4] =	stream.indirect.gather [spmem:s1], $0x80, s9, s14, $0xb8;
	[tilespmem:$0x15A28] =	vst v63  }
0x183: {  	s20 =	simm.s32 $0x12000;
	s18 =	sadd.s32 $0x3E, s0  }
0x184: {  	[tilespmem:s20], [sflag:$0x4] =	stream.indirect.gather [spmem:s1], $0x80, s18, s14, $0xb8;
	[tilespmem:$0x15A28] =	vst v63  }
0x185: {  	s21 =	simm.s32 $0x13000;
	s0 =	sadd.s32 $0x5D, s0  }
0x186: {  	[tilespmem:s21], [sflag:$0x4] =	stream.indirect.gather [spmem:s1], $0x80, s0, s14, $0xb8;
	[tilespmem:$0x15A28] =	vst v63  }
0x187: {  	_ =	swait.ge [sflag:s5], $0xF80  }
0x188: {  	[sflag:s5] =	ssyncset.done $0x0  }
0x189: {  	[sflag:s5] =	ssyncadd.s32 $0xFFFFF080  }
0x18a: {  	_ =	swait.ge [sflag:s5], $0xF80  }
0x18b: {  	[sflag:s5] =	ssyncset.done $0x0  }
0x18c: {  	[sflag:s5] =	ssyncadd.s32 $0xFFFFF080  }
0x18d: {  	_ =	swait.ge [sflag:s5], $0xF80  }
0x18e: {  	[sflag:s5] =	ssyncset.done $0x0  }
0x18f: {  	[sflag:s5] =	ssyncadd.s32 $0xFFFFF080  }
0x190: {  	_ =	swait.ge [sflag:s5], $0xF80  }
0x191: {  	[sflag:s5] =	ssyncset.done $0x0  }
0x192: {  	s23 =	sadd.s32 s4, s13;
	[sflag:s5] =	ssyncadd.s32 $0xFFFFF080  }
0x193: {  	[hbm4b:s23+s2] =	stream.linear.scatter [tilespmem:s11], [sflag:$0x7], $0xF80, $0x38;
	[tilespmem:$0x15A28] =	vst v63  }
0x194: {  	s30 =	sadd.s32 $0x200, s23  }
0x195: {  	[hbm4b:s30+s2] =	stream.linear.scatter [tilespmem:s16], [sflag:$0x7], $0xF80, $0x38;
	[tilespmem:$0x15A28] =	vst v63  }
0x196: {  	s31 =	sadd.s32 $0x400, s23  }
0x197: {  	[hbm4b:s31+s2] =	stream.linear.scatter [tilespmem:s17], [sflag:$0x7], $0xF80, $0x38;
	[tilespmem:$0x15A28] =	vst v63  }
0x198: {  	s0 =	sadd.s32 $0x600, s23;
	s11 =	simm.s32 $0x4  }
0x199: {  	[hbm4b:s0+s2] =	stream.linear.scatter [tilespmem:s22], [sflag:$0x7], $0xF80, $0x38;
	[tilespmem:$0x15A28] =	vst v63  }
0x19a: {  	_ =	swait.ge [sflag:s11], $0xF80  }
0x19b: {  	[sflag:s11] =	ssyncset.done $0x0  }
0x19c: {  	[sflag:s11] =	ssyncadd.s32 $0xFFFFF080  }
0x19d: {  	_ =	swait.ge [sflag:s11], $0xF80  }
0x19e: {  	[sflag:s11] =	ssyncset.done $0x0  }
0x19f: {  	[sflag:s11] =	ssyncadd.s32 $0xFFFFF080  }
0x1a0: {  	_ =	swait.ge [sflag:s11], $0xF80  }
0x1a1: {  	[sflag:s11] =	ssyncset.done $0x0  }
0x1a2: {  	[sflag:s11] =	ssyncadd.s32 $0xFFFFF080  }
0x1a3: {  	_ =	swait.ge [sflag:s11], $0xF80  }
0x1a4: {  	[sflag:s11] =	ssyncset.done $0x0  }
0x1a5: {  	s13 =	rddreg [dreg:$0x8];
	[sflag:s11] =	ssyncadd.s32 $0xFFFFF080  }
0x1a6: {  	[hbm4b:s13+s2] =	stream.linear.scatter [tilespmem:s8], [sflag:$0x8], $0xF80, $0x38;
	[tilespmem:$0x15A28] =	vst v63  }
0x1a7: {  	s15 =	sadd.s32 $0x200, s13  }
0x1a8: {  	[hbm4b:s15+s2] =	stream.linear.scatter [tilespmem:s12], [sflag:$0x8], $0xF80, $0x38;
	[tilespmem:$0x15A28] =	vst v63  }
0x1a9: {  	s16 =	sadd.s32 $0x400, s13  }
0x1aa: {  	[hbm4b:s16+s2] =	stream.linear.scatter [tilespmem:s20], [sflag:$0x8], $0xF80, $0x38;
	[tilespmem:$0x15A28] =	vst v63  }
0x1ab: {  	s18 =	simm.s32 $0x5;
	s17 =	sadd.s32 $0x600, s13  }
0x1ac: {  	[hbm4b:s17+s2] =	stream.linear.scatter [tilespmem:s21], [sflag:$0x8], $0xF80, $0x38;
	[tilespmem:$0x15A28] =	vst v63  }
0x1ad: {  	_ =	swait.ge [sflag:s18], $0x3E00  }
0x1ae: {  	[sflag:s18] =	ssyncset.done $0x0  }
0x1af: {  	s20 =	simm.s32 $0x6;
	[sflag:s18] =	ssyncadd.s32 $0xFFFFC200  }
0x1b0: {  	_ =	swait.ge [sflag:s20], $0x3E00  }
0x1b1: {  	[sflag:s20] =	ssyncset.done $0x0  }
0x1b2: {  	s21 =	simm.s32 $0x7;
	[sflag:s20] =	ssyncadd.s32 $0xFFFFC200  }
0x1b3: {  	_ =	swait.ge [sflag:s21], $0x3E00  }
0x1b4: {  	[sflag:s21] =	ssyncset.done $0x0  }
0x1b5: {  	s22 =	simm.s32 $0x8;
	[sflag:s21] =	ssyncadd.s32 $0xFFFFC200  }
0x1b6: {  	_ =	swait.ge [sflag:s22], $0x3E00  }
0x1b7: {  	s30 =	rddreg [dreg:$0xd]  }
0x1b8: {  	s31 =	rddreg [dreg:$0x9];
	s7 =	sadd.s32 $0x1, s30  }
0x1b9: {  	p0 =	sne.s32 s7, s31  }
.Ltmp1:
0x1ba: {  	_ = 	snop;
	(pc) =	sbr.rel @p0 .LBB2_1-.Ltmp1, $3  }
0x1bb: {  	_ =	sdelay $0x1  }
0x1bc: {  	[sflag:s22] =	ssyncset.done $0x0  }
0x1bd: {  	s28 =	simm.s32 $0x13000;
	s23 =	simm.s32 $0xF000;
	[sflag:s22] =	ssyncadd.s32 $0xFFFFC200  }
0x1be: {  	_ =	sfence.sel $0x180000  }
0x1bf: {  	[bflag:$0x0] =	sbarrier.arrive $0xFFFF  }
0x1c0: {  	_ =	strace $0x90000047  }
0x1c1: {  	[bflag:$0x2] =	sbarrier.arrive $0xFFFF  }
0x1c2: {  	s1 =	sld [smem:$0x7FD];
	_ =	sdelay $0x2  }
0x1c3: {  	s0 =	rddreg [dreg:$0x3];
	p0 =	seq.s32 s1, $0x1  }
0x1c4: {  	s0 =	sadd.s32 @!p0 $0x100000, s0  }
0x1c5: {  	[sflag:s0] =	ssyncadd.tile.s32 @!p0 $0x1;
	_ =	shalt  }
.Lfunc_end2:
_tile_overlayer_lowered:
.L_overlay_start_2:
0x1c6: {  	(tag) =	ssettag $0x2  }
0x1c7: {  	s0 =	rddreg [dreg:$0x0];
	s2 =	stileid.u32  }
0x1c8: {  	s1 =	rddreg [dreg:$0x1];
	p0 =	sne.s32 s2, $0x0  }
0x1c9: {  	s3 =	rddreg [dreg:$0x2];
	[bflag:$0x3] =	sbarrier.arrive $0xFFFF;
	s2 =	simm.s32 @!p0 $0x1C09  }
0x1ca: {  	[timem:s3], [sflag:s2] =	dma.local @!p0 [hbm:s0], s1  }
0x1cb: {  	s0 =	simm.s32 @!p0 $0x9  }
0x1cc: {  	_ =	swait.ge @!p0 [sflag:s0], s1  }
0x1cd: {  	s1 =	ssub.s32 @!p0 $0x0, s1;
	[sflag:s0] =	ssyncset.done @!p0 $0x0  }
0x1ce: {  	[sflag:s0] =	ssyncadd.s32 @!p0 s1  }
0x1cf: {  	[bflag:$0x3] =	sbarrier.arrive $0xFFFF  }
0x1d0: {  	_ =	shalt  }

</sc_bundles>
